<compile_context>
chip_gen: v7x
topology: tpu7x:2x2x1
jax: 0.10.2.dev20260603
libtpu: 0.0.44.dev20260713+nightly
codegen_flags: <defaults>
</compile_context>

<pallas_src>
import functools

import numpy as np
import jax
import jax.numpy as jnp
from jax import lax
from jax.experimental import pallas as pl
from jax.experimental.pallas import tpu as pltpu
from jax.experimental.pallas import tpu_sc as plsc

_H_SPLIT = np.array([12, 15, 19, 22, 25, 29, 33, 37, 41, 46, 51, 56, 63, 69,
                     76, 85, 97, 116, 148, 100000], dtype=np.int64)
_W_SPLIT = np.array([14, 18, 21, 25, 28, 31, 35, 40, 45, 50, 56, 62, 70, 78,
                     86, 96, 110, 125, 157, 100000], dtype=np.int64)
_MAX_LEVEL = 20
_HALF = 64

_vals = np.arange(256, dtype=np.int64)
_LUT_H = (np.minimum(np.searchsorted(_H_SPLIT, _vals, side="right"),
                     _MAX_LEVEL - 1) * _HALF).astype(np.int32)
_LUT_W = ((np.minimum(np.searchsorted(_W_SPLIT, _vals, side="right"),
                      _MAX_LEVEL - 1) + _MAX_LEVEL) * _HALF).astype(np.int32)
_LUT = np.concatenate([_LUT_H, _LUT_W])

_NW = 32
_CH = 128
_NBUF = 4
_L = 16
_GP = _CH // _L


def _body(emb_hbm, hs_hbm, ws_hbm, lut_hbm, table_hbm, out_hbm,
          table_v, lut_v, hs_all, ws_all,
          *bufs_and_sems, rows_per_worker):
    embs = bufs_and_sems[:_NBUF]
    sin = bufs_and_sems[_NBUF:2 * _NBUF]
    sout = bufs_and_sems[2 * _NBUF:3 * _NBUF]
    wid = lax.axis_index("s") * 2 + lax.axis_index("c")
    row0 = wid * rows_per_worker
    n_chunks = rows_per_worker // _CH
    riota = jnp.arange(_L, dtype=jnp.int32) * 128

    def prologue_copies():
        for src, dst in ((lut_hbm, lut_v), (table_hbm, table_v),
                         (hs_hbm.at[pl.ds(row0, rows_per_worker)], hs_all),
                         (ws_hbm.at[pl.ds(row0, rows_per_worker)], ws_all)):
            pltpu.make_async_copy(src, dst, sin[1]).start()

    def prologue_wait():
        for src, dst in ((lut_hbm, lut_v), (table_hbm, table_v),
                         (hs_hbm.at[pl.ds(row0, rows_per_worker)], hs_all),
                         (ws_hbm.at[pl.ds(row0, rows_per_worker)], ws_all)):
            pltpu.make_async_copy(src, dst, sin[1]).wait()

    def in_copy(ci, b):
        base = (row0 + ci * _CH) * 128
        pltpu.make_async_copy(
            emb_hbm.at[pl.ds(base, _CH * 128)], embs[b], sin[b]).start()

    def in_wait(b):
        pltpu.make_async_copy(
            emb_hbm.at[pl.ds(0, _CH * 128)], embs[b], sin[b]).wait()

    def out_copy(ci, b):
        base = (row0 + ci * _CH) * 128
        pltpu.make_async_copy(
            embs[b], out_hbm.at[pl.ds(base, _CH * 128)], sout[b]).start()

    def out_wait(b):
        pltpu.make_async_copy(
            embs[b], out_hbm.at[pl.ds(0, _CH * 128)], sout[b]).wait()

    def compute(ci, b):
        ev = embs[b]
        diag = jnp.arange(_L, dtype=jnp.int32)

        def group(g, _):
            gg = ci * _GP + g
            sv_h = hs_all[pl.ds(gg * _L, _L)]
            sv_w = ws_all[pl.ds(gg * _L, _L)]
            sv_h = jnp.minimum(jnp.maximum(sv_h, 0), 255)
            sv_w = jnp.minimum(jnp.maximum(sv_w, 0), 255) + 256
            idx_h = plsc.load_gather(lut_v, [sv_h])
            idx_w = plsc.load_gather(lut_v, [sv_w])
            rb = riota + g * (_L * 128)

            @plsc.parallel_loop(0, _HALF, unroll=8)
            def _cols(u):
                d = (diag + u) & (_HALF - 1)
                th = plsc.load_gather(table_v, [idx_h + d])
                plsc.addupdate_scatter(ev, [rb + d], th)
                tw = plsc.load_gather(table_v, [idx_w + d])
                plsc.addupdate_scatter(ev, [rb + (_HALF + d)], tw)

            return 0

        lax.fori_loop(0, _GP, group, 0)

    in_copy(0, 0)
    prologue_copies()
    prologue_wait()

    def outer(o, _):
        for b in range(_NBUF):
            ci = o * _NBUF + b
            bn = (b + 1) % _NBUF

            @pl.when(ci >= _NBUF - 1)
            def _():
                out_wait(bn)

            @pl.when(ci + 1 < n_chunks)
            def _():
                in_copy(ci + 1, bn)

            in_wait(b)
            compute(ci, b)
            out_copy(ci, b)
        return 0

    lax.fori_loop(0, n_chunks // _NBUF, outer, 0)
    for k in range(1, _NBUF):
        out_wait(k)


def kernel(emb, h_scales, w_scales, pe_h, pe_w):
    n, ex, f = emb.shape
    nrows = n * ex
    rows_per_worker = nrows // _NW
    emb_flat = emb.reshape(nrows * f)
    hs = h_scales.reshape(nrows)
    ws = w_scales.reshape(nrows)
    table = jnp.concatenate([pe_h, pe_w], axis=0).reshape(2 * _MAX_LEVEL * _HALF)
    lut = jnp.asarray(_LUT)

    mesh = plsc.VectorSubcoreMesh(core_axis_name="c", subcore_axis_name="s")
    k = pl.kernel(
        functools.partial(_body, rows_per_worker=rows_per_worker),
        mesh=mesh,
        compiler_params=pltpu.CompilerParams(needs_layout_passes=False),
        out_type=jax.ShapeDtypeStruct((nrows * f,), jnp.float32),
        scratch_types=[
            pltpu.VMEM((2 * _MAX_LEVEL * _HALF,), jnp.float32),
            pltpu.VMEM((512,), jnp.int32),
            pltpu.VMEM((nrows // _NW,), jnp.int32),
            pltpu.VMEM((nrows // _NW,), jnp.int32),
        ] + [pltpu.VMEM((_CH * 128,), jnp.float32)] * _NBUF
          + [pltpu.SemaphoreType.DMA] * (2 * _NBUF),
    )
    out = k(emb_flat, hs, ws, lut, table)
    return out.reshape(n, ex, f)

# --- scband reference (transcript-rebuilt; emitter-appended) ---
"""Pipeline reference for scband-examplar-positional-encoding-81758997447318 (READ-ONLY COPY).

The authoritative reference and input builder live on the scoring server;
editing this copy changes nothing except your own understanding.
"""

import jax, jax.numpy as jnp
import numpy as np

H_SPLIT = jnp.array([12, 15, 19, 22, 25, 29, 33, 37, 41, 46, 51, 56, 63, 69, 76, 85, 97, 116, 148, 100000], dtype=jnp.int32)
W_SPLIT = jnp.array([14, 18, 21, 25, 28, 31, 35, 40, 45, 50, 56, 62, 70, 78, 86, 96, 110, 125, 157, 100000], dtype=jnp.int32)
MAX_LEVEL = 20
DIM = 128


def setup_inputs(seed: int = 0) -> dict:
    key = jax.random.key(seed)
    k1, k2, k3, k4, k5 = jax.random.split(key, 5)
    n, ex = 8192, 32
    emb = jax.random.normal(k1, (n, ex, DIM), dtype=jnp.float32)
    h_scales = jax.random.randint(k2, (n, ex), 0, 200).astype(jnp.int32)
    w_scales = jax.random.randint(k3, (n, ex), 0, 200).astype(jnp.int32)
    pe_h = jax.random.uniform(k4, (MAX_LEVEL, DIM // 2), dtype=jnp.float32)
    pe_w = jax.random.uniform(k5, (MAX_LEVEL, DIM // 2), dtype=jnp.float32)
    return {"emb": emb, "h_scales": h_scales, "w_scales": w_scales, "pe_h": pe_h, "pe_w": pe_w}


def reference(emb, h_scales, w_scales, pe_h, pe_w):
    n, ex, f = emb.shape
    hs = h_scales.reshape(n * ex)
    ws = w_scales.reshape(n * ex)
    # bisect_right(split, v) == searchsorted(split, v, side='right')
    level_h = jnp.clip(jnp.searchsorted(H_SPLIT, hs, side='right'), 0, MAX_LEVEL - 1)
    level_w = jnp.clip(jnp.searchsorted(W_SPLIT, ws, side='right'), 0, MAX_LEVEL - 1)
    pe = jnp.concatenate([jnp.take(pe_h, level_h, axis=0), jnp.take(pe_w, level_w, axis=0)], axis=1)
    out = emb + pe.reshape(n, ex, f)
    # dropout p=0.0 -> identity
    return out

if __name__ == "__main__":
    import jax
    _d = setup_inputs()
    print(jax.jit(kernel)(*tuple(_d.values())))

</pallas_src>

<mosaic_0001>
#map = affine_map<(d0, d1) -> (0)>
module attributes {stable_mosaic.version = 14 : i64} {
  func.func @_body(%arg0: i32, %arg1: i32, %arg2: memref<33554432xf32, #tpu.memory_space<hbm>>, %arg3: memref<262144xi32, #tpu.memory_space<hbm>>, %arg4: memref<262144xi32, #tpu.memory_space<hbm>>, %arg5: memref<512xi32, #tpu.memory_space<hbm>>, %arg6: memref<2560xf32, #tpu.memory_space<hbm>>, %arg7: memref<33554432xf32, #tpu.memory_space<hbm>>, %arg8: memref<2560xf32, #tpu.memory_space<vmem>>, %arg9: memref<512xi32, #tpu.memory_space<vmem>>, %arg10: memref<8192xi32, #tpu.memory_space<vmem>>, %arg11: memref<8192xi32, #tpu.memory_space<vmem>>, %arg12: memref<16384xf32, #tpu.memory_space<vmem>>, %arg13: memref<16384xf32, #tpu.memory_space<vmem>>, %arg14: memref<16384xf32, #tpu.memory_space<vmem>>, %arg15: memref<16384xf32, #tpu.memory_space<vmem>>, %arg16: memref<!tpu.dma_semaphore, #tpu.memory_space<semaphore_mem>>, %arg17: memref<!tpu.dma_semaphore, #tpu.memory_space<semaphore_mem>>, %arg18: memref<!tpu.dma_semaphore, #tpu.memory_space<semaphore_mem>>, %arg19: memref<!tpu.dma_semaphore, #tpu.memory_space<semaphore_mem>>, %arg20: memref<!tpu.dma_semaphore, #tpu.memory_space<semaphore_mem>>, %arg21: memref<!tpu.dma_semaphore, #tpu.memory_space<semaphore_mem>>, %arg22: memref<!tpu.dma_semaphore, #tpu.memory_space<semaphore_mem>>, %arg23: memref<!tpu.dma_semaphore, #tpu.memory_space<semaphore_mem>>) attributes {dimension_semantics = [#tpu.dimension_semantics<core_parallel>, #tpu.dimension_semantics<subcore_parallel>], iteration_bounds = array<i64: 2, 16>, scalar_prefetch = 0 : i64, scratch_operands = 16 : i64, tpu.core_type = #tpu.core_type<sc_vector_subcore>, window_params = [{transform_indices = #map}, {transform_indices = #map}, {transform_indices = #map}, {transform_indices = #map}, {transform_indices = #map}, {transform_indices = #map}]} {
    %mul3A = arith.constant 2 : i32
    %mul3A_0 = arith.muli %arg1, %mul3A : i32
    %add3A = arith.addi %mul3A_0, %arg0 : i32
    %mul3A_1 = arith.constant 8192 : i32
    %mul3A_2 = arith.muli %add3A, %mul3A_1 : i32
    %iota3A = tpu.iota {dimensions = array<i32: 0>} : vector<16xi32>
    %mul3A_3 = arith.constant 128 : i32
    %mul3A_4 = vector.broadcast %mul3A_3 : i32 to vector<16xi32>
    %mul3A_5 = arith.muli %iota3A, %mul3A_4 : vector<16xi32>
    %add3A_6 = arith.constant 0 : i32
    %add3A_7 = arith.addi %mul3A_2, %add3A_6 : i32
    %mul3A_8 = arith.constant 128 : i32
    %mul3A_9 = arith.muli %add3A_7, %mul3A_8 : i32
    %dma_start3A = tpu.memref_slice %arg2[%mul3A_9] : memref<33554432xf32, #tpu.memory_space<hbm>> -> memref<16384xf32, #tpu.memory_space<hbm>>
    %dma_start3A_10 = tpu.memref_slice %arg2[%mul3A_9] : memref<33554432xf32, #tpu.memory_space<hbm>> -> memref<16384xf32, #tpu.memory_space<hbm>>
    tpu.enqueue_dma source(%dma_start3A_10 : memref<16384xf32, #tpu.memory_space<hbm>>) target(%arg12 : memref<16384xf32, #tpu.memory_space<vmem>>) target_semaphore(%arg16 : memref<!tpu.dma_semaphore, #tpu.memory_space<semaphore_mem>>)
    tpu.enqueue_dma source(%arg5 : memref<512xi32, #tpu.memory_space<hbm>>) target(%arg9 : memref<512xi32, #tpu.memory_space<vmem>>) target_semaphore(%arg17 : memref<!tpu.dma_semaphore, #tpu.memory_space<semaphore_mem>>)
    tpu.enqueue_dma source(%arg6 : memref<2560xf32, #tpu.memory_space<hbm>>) target(%arg8 : memref<2560xf32, #tpu.memory_space<vmem>>) target_semaphore(%arg17 : memref<!tpu.dma_semaphore, #tpu.memory_space<semaphore_mem>>)
    %dma_start3A_11 = tpu.memref_slice %arg3[%mul3A_2] : memref<262144xi32, #tpu.memory_space<hbm>> -> memref<8192xi32, #tpu.memory_space<hbm>>
    %dma_start3A_12 = tpu.memref_slice %arg3[%mul3A_2] : memref<262144xi32, #tpu.memory_space<hbm>> -> memref<8192xi32, #tpu.memory_space<hbm>>
    tpu.enqueue_dma source(%dma_start3A_12 : memref<8192xi32, #tpu.memory_space<hbm>>) target(%arg10 : memref<8192xi32, #tpu.memory_space<vmem>>) target_semaphore(%arg17 : memref<!tpu.dma_semaphore, #tpu.memory_space<semaphore_mem>>)
    %dma_start3A_13 = tpu.memref_slice %arg4[%mul3A_2] : memref<262144xi32, #tpu.memory_space<hbm>> -> memref<8192xi32, #tpu.memory_space<hbm>>
    %dma_start3A_14 = tpu.memref_slice %arg4[%mul3A_2] : memref<262144xi32, #tpu.memory_space<hbm>> -> memref<8192xi32, #tpu.memory_space<hbm>>
    tpu.enqueue_dma source(%dma_start3A_14 : memref<8192xi32, #tpu.memory_space<hbm>>) target(%arg11 : memref<8192xi32, #tpu.memory_space<vmem>>) target_semaphore(%arg17 : memref<!tpu.dma_semaphore, #tpu.memory_space<semaphore_mem>>)
    tpu.wait_dma2 semaphore(%arg17 : memref<!tpu.dma_semaphore, #tpu.memory_space<semaphore_mem>>) src(%arg5 : memref<512xi32, #tpu.memory_space<hbm>>) dst(%arg9 : memref<512xi32, #tpu.memory_space<vmem>>)
    tpu.wait_dma2 semaphore(%arg17 : memref<!tpu.dma_semaphore, #tpu.memory_space<semaphore_mem>>) src(%arg6 : memref<2560xf32, #tpu.memory_space<hbm>>) dst(%arg8 : memref<2560xf32, #tpu.memory_space<vmem>>)
    %dma_wait3A = tpu.memref_slice %arg3[%mul3A_2] : memref<262144xi32, #tpu.memory_space<hbm>> -> memref<8192xi32, #tpu.memory_space<hbm>>
    %dma_wait3A_15 = tpu.memref_slice %arg3[%mul3A_2] : memref<262144xi32, #tpu.memory_space<hbm>> -> memref<8192xi32, #tpu.memory_space<hbm>>
    tpu.wait_dma2 semaphore(%arg17 : memref<!tpu.dma_semaphore, #tpu.memory_space<semaphore_mem>>) src(%dma_wait3A_15 : memref<8192xi32, #tpu.memory_space<hbm>>) dst(%arg10 : memref<8192xi32, #tpu.memory_space<vmem>>)
    %dma_wait3A_16 = tpu.memref_slice %arg4[%mul3A_2] : memref<262144xi32, #tpu.memory_space<hbm>> -> memref<8192xi32, #tpu.memory_space<hbm>>
    %dma_wait3A_17 = tpu.memref_slice %arg4[%mul3A_2] : memref<262144xi32, #tpu.memory_space<hbm>> -> memref<8192xi32, #tpu.memory_space<hbm>>
    tpu.wait_dma2 semaphore(%arg17 : memref<!tpu.dma_semaphore, #tpu.memory_space<semaphore_mem>>) src(%dma_wait3A_17 : memref<8192xi32, #tpu.memory_space<hbm>>) dst(%arg11 : memref<8192xi32, #tpu.memory_space<vmem>>)
    %scan3A = arith.constant 0 : i32
    %scan3A_18 = arith.constant 0 : i32
    %scan3A_19 = arith.constant 16 : i32
    %scan3A_20 = arith.addi %scan3A_18, %scan3A_19 : i32
    %scan3A_21 = arith.constant 1 : i32
    %scan3A_22 = scf.for %scan3A_36 = %scan3A_18 to %scan3A_20 step %scan3A_21 iter_args(%scan3A_37 = %scan3A) -> (i32)  : i32 {
      %mul3A_38 = arith.constant 4 : i32
      %mul3A_39 = arith.muli %scan3A_36, %mul3A_38 : i32
      %add3A_40 = arith.constant 0 : i32
      %add3A_41 = arith.addi %mul3A_39, %add3A_40 : i32
      %ge3A = arith.constant 3 : i32
      %ge3A_42 = arith.cmpi sge, %add3A_41, %ge3A : i32
      %convert_element_type3A = arith.extui %ge3A_42 : i1 to i32
      %cond3A = arith.constant 0 : i32
      %cond3A_43 = arith.cmpi ne, %convert_element_type3A, %cond3A : i32
      scf.if %cond3A_43 {
        %dma_wait3A_175 = arith.constant 0 : i32
        %dma_wait3A_176 = tpu.memref_slice %arg7[%dma_wait3A_175] : memref<33554432xf32, #tpu.memory_space<hbm>> -> memref<16384xf32, #tpu.memory_space<hbm>>
        %dma_wait3A_177 = arith.constant 0 : i32
        %dma_wait3A_178 = tpu.memref_slice %arg7[%dma_wait3A_177] : memref<33554432xf32, #tpu.memory_space<hbm>> -> memref<16384xf32, #tpu.memory_space<hbm>>
        tpu.wait_dma2 semaphore(%arg21 : memref<!tpu.dma_semaphore, #tpu.memory_space<semaphore_mem>>) src(%arg13 : memref<16384xf32, #tpu.memory_space<vmem>>) dst(%dma_wait3A_178 : memref<16384xf32, #tpu.memory_space<hbm>>)
      } else {
      }
      %add3A_44 = arith.constant 1 : i32
      %add3A_45 = arith.addi %add3A_41, %add3A_44 : i32
      %lt3A = arith.constant 64 : i32
      %lt3A_46 = arith.cmpi slt, %add3A_45, %lt3A : i32
      %convert_element_type3A_47 = arith.extui %lt3A_46 : i1 to i32
      %cond3A_48 = arith.constant 0 : i32
      %cond3A_49 = arith.cmpi ne, %convert_element_type3A_47, %cond3A_48 : i32
      scf.if %cond3A_49 {
        %add3A_175 = arith.constant 1 : i32
        %add3A_176 = arith.addi %add3A_41, %add3A_175 : i32
        %mul3A_177 = arith.constant 128 : i32
        %mul3A_178 = arith.muli %add3A_176, %mul3A_177 : i32
        %add3A_179 = arith.addi %mul3A_2, %mul3A_178 : i32
        %mul3A_180 = arith.constant 128 : i32
        %mul3A_181 = arith.muli %add3A_179, %mul3A_180 : i32
        %dma_start3A_182 = tpu.memref_slice %arg2[%mul3A_181] : memref<33554432xf32, #tpu.memory_space<hbm>> -> memref<16384xf32, #tpu.memory_space<hbm>>
        %dma_start3A_183 = tpu.memref_slice %arg2[%mul3A_181] : memref<33554432xf32, #tpu.memory_space<hbm>> -> memref<16384xf32, #tpu.memory_space<hbm>>
        tpu.enqueue_dma source(%dma_start3A_183 : memref<16384xf32, #tpu.memory_space<hbm>>) target(%arg13 : memref<16384xf32, #tpu.memory_space<vmem>>) target_semaphore(%arg17 : memref<!tpu.dma_semaphore, #tpu.memory_space<semaphore_mem>>)
      } else {
      }
      %dma_wait3A_50 = arith.constant 0 : i32
      %dma_wait3A_51 = tpu.memref_slice %arg2[%dma_wait3A_50] : memref<33554432xf32, #tpu.memory_space<hbm>> -> memref<16384xf32, #tpu.memory_space<hbm>>
      %dma_wait3A_52 = arith.constant 0 : i32
      %dma_wait3A_53 = tpu.memref_slice %arg2[%dma_wait3A_52] : memref<33554432xf32, #tpu.memory_space<hbm>> -> memref<16384xf32, #tpu.memory_space<hbm>>
      tpu.wait_dma2 semaphore(%arg16 : memref<!tpu.dma_semaphore, #tpu.memory_space<semaphore_mem>>) src(%dma_wait3A_53 : memref<16384xf32, #tpu.memory_space<hbm>>) dst(%arg12 : memref<16384xf32, #tpu.memory_space<vmem>>)
      %iota3A_54 = tpu.iota {dimensions = array<i32: 0>} : vector<16xi32>
      %scan3A_55 = arith.constant 0 : i32
      %scan3A_56 = arith.constant 0 : i32
      %scan3A_57 = arith.constant 8 : i32
      %scan3A_58 = arith.addi %scan3A_56, %scan3A_57 : i32
      %scan3A_59 = arith.constant 1 : i32
      %scan3A_60 = scf.for %scan3A_175 = %scan3A_56 to %scan3A_58 step %scan3A_59 iter_args(%scan3A_176 = %scan3A_55) -> (i32)  : i32 {
        %mul3A_177 = arith.constant 8 : i32
        %mul3A_178 = arith.muli %add3A_41, %mul3A_177 : i32
        %add3A_179 = arith.addi %mul3A_178, %scan3A_175 : i32
        %mul3A_180 = arith.constant 16 : i32
        %mul3A_181 = arith.muli %add3A_179, %mul3A_180 : i32
        %get3A = arith.index_cast %mul3A_181 : i32 to index
        %get3A_182 = tpu.vector_load %arg10[%get3A] {strides = array<i32>} : memref<8192xi32, #tpu.memory_space<vmem>>, vector<16xi32>,
        %mul3A_183 = arith.constant 16 : i32
        %mul3A_184 = arith.muli %add3A_179, %mul3A_183 : i32
        %get3A_185 = arith.index_cast %mul3A_184 : i32 to index
        %get3A_186 = tpu.vector_load %arg11[%get3A_185] {strides = array<i32>} : memref<8192xi32, #tpu.memory_space<vmem>>, vector<16xi32>,
        %max3A = arith.constant 0 : i32
        %max3A_187 = vector.broadcast %max3A : i32 to vector<16xi32>
        %max3A_188 = arith.maxsi %get3A_182, %max3A_187 : vector<16xi32>
        %min3A = arith.constant 255 : i32
        %min3A_189 = vector.broadcast %min3A : i32 to vector<16xi32>
        %min3A_190 = arith.minsi %max3A_188, %min3A_189 : vector<16xi32>
        %max3A_191 = arith.constant 0 : i32
        %max3A_192 = vector.broadcast %max3A_191 : i32 to vector<16xi32>
        %max3A_193 = arith.maxsi %get3A_186, %max3A_192 : vector<16xi32>
        %min3A_194 = arith.constant 255 : i32
        %min3A_195 = vector.broadcast %min3A_194 : i32 to vector<16xi32>
        %min3A_196 = arith.minsi %max3A_193, %min3A_195 : vector<16xi32>
        %add3A_197 = arith.constant 256 : i32
        %add3A_198 = vector.broadcast %add3A_197 : i32 to vector<16xi32>
        %add3A_199 = arith.addi %min3A_196, %add3A_198 : vector<16xi32>
        %gather3A = tpu.vector_load_idx %arg9[%min3A_190] : memref<512xi32, #tpu.memory_space<vmem>>[vector<16xi32>], vector<16xi32>,
        %gather3A_200 = tpu.vector_load_idx %arg9[%add3A_199] : memref<512xi32, #tpu.memory_space<vmem>>[vector<16xi32>], vector<16xi32>,
        %mul3A_201 = arith.constant 2048 : i32
        %mul3A_202 = arith.muli %scan3A_175, %mul3A_201 : i32
        %add3A_203 = vector.broadcast %mul3A_202 : i32 to vector<16xi32>
        %add3A_204 = arith.addi %mul3A_5, %add3A_203 : vector<16xi32>
        %parallel_loop3A = arith.constant 0 : i32
        %parallel_loop3A_205 = arith.constant 64 : i32
        %parallel_loop3A_206 = arith.constant 1 : i32
        scf.for %parallel_loop3A_208 = %parallel_loop3A to %parallel_loop3A_205 step %parallel_loop3A_206  : i32 {
          %parallel_loop3A_209 = vector.broadcast %parallel_loop3A_208 : i32 to vector<16xi32>
          %parallel_loop3A_210 = arith.addi %iota3A_54, %parallel_loop3A_209 : vector<16xi32>
          %parallel_loop3A_211 = arith.constant 63 : i32
          %parallel_loop3A_212 = vector.broadcast %parallel_loop3A_211 : i32 to vector<16xi32>
          %parallel_loop3A_213 = arith.andi %parallel_loop3A_210, %parallel_loop3A_212 : vector<16xi32>
          %parallel_loop3A_214 = arith.addi %gather3A, %parallel_loop3A_213 : vector<16xi32>
          %parallel_loop3A_215 = tpu.vector_load_idx %arg8[%parallel_loop3A_214] : memref<2560xf32, #tpu.memory_space<vmem>>[vector<16xi32>], vector<16xf32>,
          %parallel_loop3A_216 = arith.addi %add3A_204, %parallel_loop3A_213 : vector<16xi32>
          tpu.vector_store_idx %arg12[%parallel_loop3A_216], %parallel_loop3A_215 {add = true} : memref<16384xf32, #tpu.memory_space<vmem>>[vector<16xi32>], vector<16xf32>,
          %parallel_loop3A_217 = arith.addi %gather3A_200, %parallel_loop3A_213 : vector<16xi32>
          %parallel_loop3A_218 = tpu.vector_load_idx %arg8[%parallel_loop3A_217] : memref<2560xf32, #tpu.memory_space<vmem>>[vector<16xi32>], vector<16xf32>,
          %parallel_loop3A_219 = arith.constant 64 : i32
          %parallel_loop3A_220 = vector.broadcast %parallel_loop3A_219 : i32 to vector<16xi32>
          %parallel_loop3A_221 = arith.addi %parallel_loop3A_220, %parallel_loop3A_213 : vector<16xi32>
          %parallel_loop3A_222 = arith.addi %add3A_204, %parallel_loop3A_221 : vector<16xi32>
          tpu.vector_store_idx %arg12[%parallel_loop3A_222], %parallel_loop3A_218 {add = true} : memref<16384xf32, #tpu.memory_space<vmem>>[vector<16xi32>], vector<16xf32>,
        } {sc.loop_unroll_factor = 8 : i64, sc.parallel_access}
        %scan3A_207 = arith.constant 0 : i32
        scf.yield %scan3A_207 : i32
      }
      %scan3A_61 = arith.constant 8 : i32
      %mul3A_62 = arith.constant 128 : i32
      %mul3A_63 = arith.muli %add3A_41, %mul3A_62 : i32
      %add3A_64 = arith.addi %mul3A_2, %mul3A_63 : i32
      %mul3A_65 = arith.constant 128 : i32
      %mul3A_66 = arith.muli %add3A_64, %mul3A_65 : i32
      %dma_start3A_67 = tpu.memref_slice %arg7[%mul3A_66] : memref<33554432xf32, #tpu.memory_space<hbm>> -> memref<16384xf32, #tpu.memory_space<hbm>>
      %dma_start3A_68 = tpu.memref_slice %arg7[%mul3A_66] : memref<33554432xf32, #tpu.memory_space<hbm>> -> memref<16384xf32, #tpu.memory_space<hbm>>
      tpu.enqueue_dma source(%arg12 : memref<16384xf32, #tpu.memory_space<vmem>>) target(%dma_start3A_68 : memref<16384xf32, #tpu.memory_space<hbm>>) target_semaphore(%arg20 : memref<!tpu.dma_semaphore, #tpu.memory_space<semaphore_mem>>)
      %mul3A_69 = arith.constant 4 : i32
      %mul3A_70 = arith.muli %scan3A_36, %mul3A_69 : i32
      %add3A_71 = arith.constant 1 : i32
      %add3A_72 = arith.addi %mul3A_70, %add3A_71 : i32
      %ge3A_73 = arith.constant 3 : i32
      %ge3A_74 = arith.cmpi sge, %add3A_72, %ge3A_73 : i32
      %convert_element_type3A_75 = arith.extui %ge3A_74 : i1 to i32
      %cond3A_76 = arith.constant 0 : i32
      %cond3A_77 = arith.cmpi ne, %convert_element_type3A_75, %cond3A_76 : i32
      scf.if %cond3A_77 {
        %dma_wait3A_175 = arith.constant 0 : i32
        %dma_wait3A_176 = tpu.memref_slice %arg7[%dma_wait3A_175] : memref<33554432xf32, #tpu.memory_space<hbm>> -> memref<16384xf32, #tpu.memory_space<hbm>>
        %dma_wait3A_177 = arith.constant 0 : i32
        %dma_wait3A_178 = tpu.memref_slice %arg7[%dma_wait3A_177] : memref<33554432xf32, #tpu.memory_space<hbm>> -> memref<16384xf32, #tpu.memory_space<hbm>>
        tpu.wait_dma2 semaphore(%arg22 : memref<!tpu.dma_semaphore, #tpu.memory_space<semaphore_mem>>) src(%arg14 : memref<16384xf32, #tpu.memory_space<vmem>>) dst(%dma_wait3A_178 : memref<16384xf32, #tpu.memory_space<hbm>>)
      } else {
      }
      %add3A_78 = arith.constant 1 : i32
      %add3A_79 = arith.addi %add3A_72, %add3A_78 : i32
      %lt3A_80 = arith.constant 64 : i32
      %lt3A_81 = arith.cmpi slt, %add3A_79, %lt3A_80 : i32
      %convert_element_type3A_82 = arith.extui %lt3A_81 : i1 to i32
      %cond3A_83 = arith.constant 0 : i32
      %cond3A_84 = arith.cmpi ne, %convert_element_type3A_82, %cond3A_83 : i32
      scf.if %cond3A_84 {
        %add3A_175 = arith.constant 1 : i32
        %add3A_176 = arith.addi %add3A_72, %add3A_175 : i32
        %mul3A_177 = arith.constant 128 : i32
        %mul3A_178 = arith.muli %add3A_176, %mul3A_177 : i32
        %add3A_179 = arith.addi %mul3A_2, %mul3A_178 : i32
        %mul3A_180 = arith.constant 128 : i32
        %mul3A_181 = arith.muli %add3A_179, %mul3A_180 : i32
        %dma_start3A_182 = tpu.memref_slice %arg2[%mul3A_181] : memref<33554432xf32, #tpu.memory_space<hbm>> -> memref<16384xf32, #tpu.memory_space<hbm>>
        %dma_start3A_183 = tpu.memref_slice %arg2[%mul3A_181] : memref<33554432xf32, #tpu.memory_space<hbm>> -> memref<16384xf32, #tpu.memory_space<hbm>>
        tpu.enqueue_dma source(%dma_start3A_183 : memref<16384xf32, #tpu.memory_space<hbm>>) target(%arg14 : memref<16384xf32, #tpu.memory_space<vmem>>) target_semaphore(%arg18 : memref<!tpu.dma_semaphore, #tpu.memory_space<semaphore_mem>>)
      } else {
      }
      %dma_wait3A_85 = arith.constant 0 : i32
      %dma_wait3A_86 = tpu.memref_slice %arg2[%dma_wait3A_85] : memref<33554432xf32, #tpu.memory_space<hbm>> -> memref<16384xf32, #tpu.memory_space<hbm>>
      %dma_wait3A_87 = arith.constant 0 : i32
      %dma_wait3A_88 = tpu.memref_slice %arg2[%dma_wait3A_87] : memref<33554432xf32, #tpu.memory_space<hbm>> -> memref<16384xf32, #tpu.memory_space<hbm>>
      tpu.wait_dma2 semaphore(%arg17 : memref<!tpu.dma_semaphore, #tpu.memory_space<semaphore_mem>>) src(%dma_wait3A_88 : memref<16384xf32, #tpu.memory_space<hbm>>) dst(%arg13 : memref<16384xf32, #tpu.memory_space<vmem>>)
      %iota3A_89 = tpu.iota {dimensions = array<i32: 0>} : vector<16xi32>
      %scan3A_90 = arith.constant 0 : i32
      %scan3A_91 = arith.constant 0 : i32
      %scan3A_92 = arith.constant 8 : i32
      %scan3A_93 = arith.addi %scan3A_91, %scan3A_92 : i32
      %scan3A_94 = arith.constant 1 : i32
      %scan3A_95 = scf.for %scan3A_175 = %scan3A_91 to %scan3A_93 step %scan3A_94 iter_args(%scan3A_176 = %scan3A_90) -> (i32)  : i32 {
        %mul3A_177 = arith.constant 8 : i32
        %mul3A_178 = arith.muli %add3A_72, %mul3A_177 : i32
        %add3A_179 = arith.addi %mul3A_178, %scan3A_175 : i32
        %mul3A_180 = arith.constant 16 : i32
        %mul3A_181 = arith.muli %add3A_179, %mul3A_180 : i32
        %get3A = arith.index_cast %mul3A_181 : i32 to index
        %get3A_182 = tpu.vector_load %arg10[%get3A] {strides = array<i32>} : memref<8192xi32, #tpu.memory_space<vmem>>, vector<16xi32>,
        %mul3A_183 = arith.constant 16 : i32
        %mul3A_184 = arith.muli %add3A_179, %mul3A_183 : i32
        %get3A_185 = arith.index_cast %mul3A_184 : i32 to index
        %get3A_186 = tpu.vector_load %arg11[%get3A_185] {strides = array<i32>} : memref<8192xi32, #tpu.memory_space<vmem>>, vector<16xi32>,
        %max3A = arith.constant 0 : i32
        %max3A_187 = vector.broadcast %max3A : i32 to vector<16xi32>
        %max3A_188 = arith.maxsi %get3A_182, %max3A_187 : vector<16xi32>
        %min3A = arith.constant 255 : i32
        %min3A_189 = vector.broadcast %min3A : i32 to vector<16xi32>
        %min3A_190 = arith.minsi %max3A_188, %min3A_189 : vector<16xi32>
        %max3A_191 = arith.constant 0 : i32
        %max3A_192 = vector.broadcast %max3A_191 : i32 to vector<16xi32>
        %max3A_193 = arith.maxsi %get3A_186, %max3A_192 : vector<16xi32>
        %min3A_194 = arith.constant 255 : i32
        %min3A_195 = vector.broadcast %min3A_194 : i32 to vector<16xi32>
        %min3A_196 = arith.minsi %max3A_193, %min3A_195 : vector<16xi32>
        %add3A_197 = arith.constant 256 : i32
        %add3A_198 = vector.broadcast %add3A_197 : i32 to vector<16xi32>
        %add3A_199 = arith.addi %min3A_196, %add3A_198 : vector<16xi32>
        %gather3A = tpu.vector_load_idx %arg9[%min3A_190] : memref<512xi32, #tpu.memory_space<vmem>>[vector<16xi32>], vector<16xi32>,
        %gather3A_200 = tpu.vector_load_idx %arg9[%add3A_199] : memref<512xi32, #tpu.memory_space<vmem>>[vector<16xi32>], vector<16xi32>,
        %mul3A_201 = arith.constant 2048 : i32
        %mul3A_202 = arith.muli %scan3A_175, %mul3A_201 : i32
        %add3A_203 = vector.broadcast %mul3A_202 : i32 to vector<16xi32>
        %add3A_204 = arith.addi %mul3A_5, %add3A_203 : vector<16xi32>
        %parallel_loop3A = arith.constant 0 : i32
        %parallel_loop3A_205 = arith.constant 64 : i32
        %parallel_loop3A_206 = arith.constant 1 : i32
        scf.for %parallel_loop3A_208 = %parallel_loop3A to %parallel_loop3A_205 step %parallel_loop3A_206  : i32 {
          %parallel_loop3A_209 = vector.broadcast %parallel_loop3A_208 : i32 to vector<16xi32>
          %parallel_loop3A_210 = arith.addi %iota3A_89, %parallel_loop3A_209 : vector<16xi32>
          %parallel_loop3A_211 = arith.constant 63 : i32
          %parallel_loop3A_212 = vector.broadcast %parallel_loop3A_211 : i32 to vector<16xi32>
          %parallel_loop3A_213 = arith.andi %parallel_loop3A_210, %parallel_loop3A_212 : vector<16xi32>
          %parallel_loop3A_214 = arith.addi %gather3A, %parallel_loop3A_213 : vector<16xi32>
          %parallel_loop3A_215 = tpu.vector_load_idx %arg8[%parallel_loop3A_214] : memref<2560xf32, #tpu.memory_space<vmem>>[vector<16xi32>], vector<16xf32>,
          %parallel_loop3A_216 = arith.addi %add3A_204, %parallel_loop3A_213 : vector<16xi32>
          tpu.vector_store_idx %arg13[%parallel_loop3A_216], %parallel_loop3A_215 {add = true} : memref<16384xf32, #tpu.memory_space<vmem>>[vector<16xi32>], vector<16xf32>,
          %parallel_loop3A_217 = arith.addi %gather3A_200, %parallel_loop3A_213 : vector<16xi32>
          %parallel_loop3A_218 = tpu.vector_load_idx %arg8[%parallel_loop3A_217] : memref<2560xf32, #tpu.memory_space<vmem>>[vector<16xi32>], vector<16xf32>,
          %parallel_loop3A_219 = arith.constant 64 : i32
          %parallel_loop3A_220 = vector.broadcast %parallel_loop3A_219 : i32 to vector<16xi32>
          %parallel_loop3A_221 = arith.addi %parallel_loop3A_220, %parallel_loop3A_213 : vector<16xi32>
          %parallel_loop3A_222 = arith.addi %add3A_204, %parallel_loop3A_221 : vector<16xi32>
          tpu.vector_store_idx %arg13[%parallel_loop3A_222], %parallel_loop3A_218 {add = true} : memref<16384xf32, #tpu.memory_space<vmem>>[vector<16xi32>], vector<16xf32>,
        } {sc.loop_unroll_factor = 8 : i64, sc.parallel_access}
        %scan3A_207 = arith.constant 0 : i32
        scf.yield %scan3A_207 : i32
      }
      %scan3A_96 = arith.constant 8 : i32
      %mul3A_97 = arith.constant 128 : i32
      %mul3A_98 = arith.muli %add3A_72, %mul3A_97 : i32
      %add3A_99 = arith.addi %mul3A_2, %mul3A_98 : i32
      %mul3A_100 = arith.constant 128 : i32
      %mul3A_101 = arith.muli %add3A_99, %mul3A_100 : i32
      %dma_start3A_102 = tpu.memref_slice %arg7[%mul3A_101] : memref<33554432xf32, #tpu.memory_space<hbm>> -> memref<16384xf32, #tpu.memory_space<hbm>>
      %dma_start3A_103 = tpu.memref_slice %arg7[%mul3A_101] : memref<33554432xf32, #tpu.memory_space<hbm>> -> memref<16384xf32, #tpu.memory_space<hbm>>
      tpu.enqueue_dma source(%arg13 : memref<16384xf32, #tpu.memory_space<vmem>>) target(%dma_start3A_103 : memref<16384xf32, #tpu.memory_space<hbm>>) target_semaphore(%arg21 : memref<!tpu.dma_semaphore, #tpu.memory_space<semaphore_mem>>)
      %mul3A_104 = arith.constant 4 : i32
      %mul3A_105 = arith.muli %scan3A_36, %mul3A_104 : i32
      %add3A_106 = arith.constant 2 : i32
      %add3A_107 = arith.addi %mul3A_105, %add3A_106 : i32
      %ge3A_108 = arith.constant 3 : i32
      %ge3A_109 = arith.cmpi sge, %add3A_107, %ge3A_108 : i32
      %convert_element_type3A_110 = arith.extui %ge3A_109 : i1 to i32
      %cond3A_111 = arith.constant 0 : i32
      %cond3A_112 = arith.cmpi ne, %convert_element_type3A_110, %cond3A_111 : i32
      scf.if %cond3A_112 {
        %dma_wait3A_175 = arith.constant 0 : i32
        %dma_wait3A_176 = tpu.memref_slice %arg7[%dma_wait3A_175] : memref<33554432xf32, #tpu.memory_space<hbm>> -> memref<16384xf32, #tpu.memory_space<hbm>>
        %dma_wait3A_177 = arith.constant 0 : i32
        %dma_wait3A_178 = tpu.memref_slice %arg7[%dma_wait3A_177] : memref<33554432xf32, #tpu.memory_space<hbm>> -> memref<16384xf32, #tpu.memory_space<hbm>>
        tpu.wait_dma2 semaphore(%arg23 : memref<!tpu.dma_semaphore, #tpu.memory_space<semaphore_mem>>) src(%arg15 : memref<16384xf32, #tpu.memory_space<vmem>>) dst(%dma_wait3A_178 : memref<16384xf32, #tpu.memory_space<hbm>>)
      } else {
      }
      %add3A_113 = arith.constant 1 : i32
      %add3A_114 = arith.addi %add3A_107, %add3A_113 : i32
      %lt3A_115 = arith.constant 64 : i32
      %lt3A_116 = arith.cmpi slt, %add3A_114, %lt3A_115 : i32
      %convert_element_type3A_117 = arith.extui %lt3A_116 : i1 to i32
      %cond3A_118 = arith.constant 0 : i32
      %cond3A_119 = arith.cmpi ne, %convert_element_type3A_117, %cond3A_118 : i32
      scf.if %cond3A_119 {
        %add3A_175 = arith.constant 1 : i32
        %add3A_176 = arith.addi %add3A_107, %add3A_175 : i32
        %mul3A_177 = arith.constant 128 : i32
        %mul3A_178 = arith.muli %add3A_176, %mul3A_177 : i32
        %add3A_179 = arith.addi %mul3A_2, %mul3A_178 : i32
        %mul3A_180 = arith.constant 128 : i32
        %mul3A_181 = arith.muli %add3A_179, %mul3A_180 : i32
        %dma_start3A_182 = tpu.memref_slice %arg2[%mul3A_181] : memref<33554432xf32, #tpu.memory_space<hbm>> -> memref<16384xf32, #tpu.memory_space<hbm>>
        %dma_start3A_183 = tpu.memref_slice %arg2[%mul3A_181] : memref<33554432xf32, #tpu.memory_space<hbm>> -> memref<16384xf32, #tpu.memory_space<hbm>>
        tpu.enqueue_dma source(%dma_start3A_183 : memref<16384xf32, #tpu.memory_space<hbm>>) target(%arg15 : memref<16384xf32, #tpu.memory_space<vmem>>) target_semaphore(%arg19 : memref<!tpu.dma_semaphore, #tpu.memory_space<semaphore_mem>>)
      } else {
      }
      %dma_wait3A_120 = arith.constant 0 : i32
      %dma_wait3A_121 = tpu.memref_slice %arg2[%dma_wait3A_120] : memref<33554432xf32, #tpu.memory_space<hbm>> -> memref<16384xf32, #tpu.memory_space<hbm>>
      %dma_wait3A_122 = arith.constant 0 : i32
      %dma_wait3A_123 = tpu.memref_slice %arg2[%dma_wait3A_122] : memref<33554432xf32, #tpu.memory_space<hbm>> -> memref<16384xf32, #tpu.memory_space<hbm>>
      tpu.wait_dma2 semaphore(%arg18 : memref<!tpu.dma_semaphore, #tpu.memory_space<semaphore_mem>>) src(%dma_wait3A_123 : memref<16384xf32, #tpu.memory_space<hbm>>) dst(%arg14 : memref<16384xf32, #tpu.memory_space<vmem>>)
      %iota3A_124 = tpu.iota {dimensions = array<i32: 0>} : vector<16xi32>
      %scan3A_125 = arith.constant 0 : i32
      %scan3A_126 = arith.constant 0 : i32
      %scan3A_127 = arith.constant 8 : i32
      %scan3A_128 = arith.addi %scan3A_126, %scan3A_127 : i32
      %scan3A_129 = arith.constant 1 : i32
      %scan3A_130 = scf.for %scan3A_175 = %scan3A_126 to %scan3A_128 step %scan3A_129 iter_args(%scan3A_176 = %scan3A_125) -> (i32)  : i32 {
        %mul3A_177 = arith.constant 8 : i32
        %mul3A_178 = arith.muli %add3A_107, %mul3A_177 : i32
        %add3A_179 = arith.addi %mul3A_178, %scan3A_175 : i32
        %mul3A_180 = arith.constant 16 : i32
        %mul3A_181 = arith.muli %add3A_179, %mul3A_180 : i32
        %get3A = arith.index_cast %mul3A_181 : i32 to index
        %get3A_182 = tpu.vector_load %arg10[%get3A] {strides = array<i32>} : memref<8192xi32, #tpu.memory_space<vmem>>, vector<16xi32>,
        %mul3A_183 = arith.constant 16 : i32
        %mul3A_184 = arith.muli %add3A_179, %mul3A_183 : i32
        %get3A_185 = arith.index_cast %mul3A_184 : i32 to index
        %get3A_186 = tpu.vector_load %arg11[%get3A_185] {strides = array<i32>} : memref<8192xi32, #tpu.memory_space<vmem>>, vector<16xi32>,
        %max3A = arith.constant 0 : i32
        %max3A_187 = vector.broadcast %max3A : i32 to vector<16xi32>
        %max3A_188 = arith.maxsi %get3A_182, %max3A_187 : vector<16xi32>
        %min3A = arith.constant 255 : i32
        %min3A_189 = vector.broadcast %min3A : i32 to vector<16xi32>
        %min3A_190 = arith.minsi %max3A_188, %min3A_189 : vector<16xi32>
        %max3A_191 = arith.constant 0 : i32
        %max3A_192 = vector.broadcast %max3A_191 : i32 to vector<16xi32>
        %max3A_193 = arith.maxsi %get3A_186, %max3A_192 : vector<16xi32>
        %min3A_194 = arith.constant 255 : i32
        %min3A_195 = vector.broadcast %min3A_194 : i32 to vector<16xi32>
        %min3A_196 = arith.minsi %max3A_193, %min3A_195 : vector<16xi32>
        %add3A_197 = arith.constant 256 : i32
        %add3A_198 = vector.broadcast %add3A_197 : i32 to vector<16xi32>
        %add3A_199 = arith.addi %min3A_196, %add3A_198 : vector<16xi32>
        %gather3A = tpu.vector_load_idx %arg9[%min3A_190] : memref<512xi32, #tpu.memory_space<vmem>>[vector<16xi32>], vector<16xi32>,
        %gather3A_200 = tpu.vector_load_idx %arg9[%add3A_199] : memref<512xi32, #tpu.memory_space<vmem>>[vector<16xi32>], vector<16xi32>,
        %mul3A_201 = arith.constant 2048 : i32
        %mul3A_202 = arith.muli %scan3A_175, %mul3A_201 : i32
        %add3A_203 = vector.broadcast %mul3A_202 : i32 to vector<16xi32>
        %add3A_204 = arith.addi %mul3A_5, %add3A_203 : vector<16xi32>
        %parallel_loop3A = arith.constant 0 : i32
        %parallel_loop3A_205 = arith.constant 64 : i32
        %parallel_loop3A_206 = arith.constant 1 : i32
        scf.for %parallel_loop3A_208 = %parallel_loop3A to %parallel_loop3A_205 step %parallel_loop3A_206  : i32 {
          %parallel_loop3A_209 = vector.broadcast %parallel_loop3A_208 : i32 to vector<16xi32>
          %parallel_loop3A_210 = arith.addi %iota3A_124, %parallel_loop3A_209 : vector<16xi32>
          %parallel_loop3A_211 = arith.constant 63 : i32
          %parallel_loop3A_212 = vector.broadcast %parallel_loop3A_211 : i32 to vector<16xi32>
          %parallel_loop3A_213 = arith.andi %parallel_loop3A_210, %parallel_loop3A_212 : vector<16xi32>
          %parallel_loop3A_214 = arith.addi %gather3A, %parallel_loop3A_213 : vector<16xi32>
          %parallel_loop3A_215 = tpu.vector_load_idx %arg8[%parallel_loop3A_214] : memref<2560xf32, #tpu.memory_space<vmem>>[vector<16xi32>], vector<16xf32>,
          %parallel_loop3A_216 = arith.addi %add3A_204, %parallel_loop3A_213 : vector<16xi32>
          tpu.vector_store_idx %arg14[%parallel_loop3A_216], %parallel_loop3A_215 {add = true} : memref<16384xf32, #tpu.memory_space<vmem>>[vector<16xi32>], vector<16xf32>,
          %parallel_loop3A_217 = arith.addi %gather3A_200, %parallel_loop3A_213 : vector<16xi32>
          %parallel_loop3A_218 = tpu.vector_load_idx %arg8[%parallel_loop3A_217] : memref<2560xf32, #tpu.memory_space<vmem>>[vector<16xi32>], vector<16xf32>,
          %parallel_loop3A_219 = arith.constant 64 : i32
          %parallel_loop3A_220 = vector.broadcast %parallel_loop3A_219 : i32 to vector<16xi32>
          %parallel_loop3A_221 = arith.addi %parallel_loop3A_220, %parallel_loop3A_213 : vector<16xi32>
          %parallel_loop3A_222 = arith.addi %add3A_204, %parallel_loop3A_221 : vector<16xi32>
          tpu.vector_store_idx %arg14[%parallel_loop3A_222], %parallel_loop3A_218 {add = true} : memref<16384xf32, #tpu.memory_space<vmem>>[vector<16xi32>], vector<16xf32>,
        } {sc.loop_unroll_factor = 8 : i64, sc.parallel_access}
        %scan3A_207 = arith.constant 0 : i32
        scf.yield %scan3A_207 : i32
      }
      %scan3A_131 = arith.constant 8 : i32
      %mul3A_132 = arith.constant 128 : i32
      %mul3A_133 = arith.muli %add3A_107, %mul3A_132 : i32
      %add3A_134 = arith.addi %mul3A_2, %mul3A_133 : i32
      %mul3A_135 = arith.constant 128 : i32
      %mul3A_136 = arith.muli %add3A_134, %mul3A_135 : i32
      %dma_start3A_137 = tpu.memref_slice %arg7[%mul3A_136] : memref<33554432xf32, #tpu.memory_space<hbm>> -> memref<16384xf32, #tpu.memory_space<hbm>>
      %dma_start3A_138 = tpu.memref_slice %arg7[%mul3A_136] : memref<33554432xf32, #tpu.memory_space<hbm>> -> memref<16384xf32, #tpu.memory_space<hbm>>
      tpu.enqueue_dma source(%arg14 : memref<16384xf32, #tpu.memory_space<vmem>>) target(%dma_start3A_138 : memref<16384xf32, #tpu.memory_space<hbm>>) target_semaphore(%arg22 : memref<!tpu.dma_semaphore, #tpu.memory_space<semaphore_mem>>)
      %mul3A_139 = arith.constant 4 : i32
      %mul3A_140 = arith.muli %scan3A_36, %mul3A_139 : i32
      %add3A_141 = arith.constant 3 : i32
      %add3A_142 = arith.addi %mul3A_140, %add3A_141 : i32
      %ge3A_143 = arith.constant 3 : i32
      %ge3A_144 = arith.cmpi sge, %add3A_142, %ge3A_143 : i32
      %convert_element_type3A_145 = arith.extui %ge3A_144 : i1 to i32
      %cond3A_146 = arith.constant 0 : i32
      %cond3A_147 = arith.cmpi ne, %convert_element_type3A_145, %cond3A_146 : i32
      scf.if %cond3A_147 {
        %dma_wait3A_175 = arith.constant 0 : i32
        %dma_wait3A_176 = tpu.memref_slice %arg7[%dma_wait3A_175] : memref<33554432xf32, #tpu.memory_space<hbm>> -> memref<16384xf32, #tpu.memory_space<hbm>>
        %dma_wait3A_177 = arith.constant 0 : i32
        %dma_wait3A_178 = tpu.memref_slice %arg7[%dma_wait3A_177] : memref<33554432xf32, #tpu.memory_space<hbm>> -> memref<16384xf32, #tpu.memory_space<hbm>>
        tpu.wait_dma2 semaphore(%arg20 : memref<!tpu.dma_semaphore, #tpu.memory_space<semaphore_mem>>) src(%arg12 : memref<16384xf32, #tpu.memory_space<vmem>>) dst(%dma_wait3A_178 : memref<16384xf32, #tpu.memory_space<hbm>>)
      } else {
      }
      %add3A_148 = arith.constant 1 : i32
      %add3A_149 = arith.addi %add3A_142, %add3A_148 : i32
      %lt3A_150 = arith.constant 64 : i32
      %lt3A_151 = arith.cmpi slt, %add3A_149, %lt3A_150 : i32
      %convert_element_type3A_152 = arith.extui %lt3A_151 : i1 to i32
      %cond3A_153 = arith.constant 0 : i32
      %cond3A_154 = arith.cmpi ne, %convert_element_type3A_152, %cond3A_153 : i32
      scf.if %cond3A_154 {
        %add3A_175 = arith.constant 1 : i32
        %add3A_176 = arith.addi %add3A_142, %add3A_175 : i32
        %mul3A_177 = arith.constant 128 : i32
        %mul3A_178 = arith.muli %add3A_176, %mul3A_177 : i32
        %add3A_179 = arith.addi %mul3A_2, %mul3A_178 : i32
        %mul3A_180 = arith.constant 128 : i32
        %mul3A_181 = arith.muli %add3A_179, %mul3A_180 : i32
        %dma_start3A_182 = tpu.memref_slice %arg2[%mul3A_181] : memref<33554432xf32, #tpu.memory_space<hbm>> -> memref<16384xf32, #tpu.memory_space<hbm>>
        %dma_start3A_183 = tpu.memref_slice %arg2[%mul3A_181] : memref<33554432xf32, #tpu.memory_space<hbm>> -> memref<16384xf32, #tpu.memory_space<hbm>>
        tpu.enqueue_dma source(%dma_start3A_183 : memref<16384xf32, #tpu.memory_space<hbm>>) target(%arg12 : memref<16384xf32, #tpu.memory_space<vmem>>) target_semaphore(%arg16 : memref<!tpu.dma_semaphore, #tpu.memory_space<semaphore_mem>>)
      } else {
      }
      %dma_wait3A_155 = arith.constant 0 : i32
      %dma_wait3A_156 = tpu.memref_slice %arg2[%dma_wait3A_155] : memref<33554432xf32, #tpu.memory_space<hbm>> -> memref<16384xf32, #tpu.memory_space<hbm>>
      %dma_wait3A_157 = arith.constant 0 : i32
      %dma_wait3A_158 = tpu.memref_slice %arg2[%dma_wait3A_157] : memref<33554432xf32, #tpu.memory_space<hbm>> -> memref<16384xf32, #tpu.memory_space<hbm>>
      tpu.wait_dma2 semaphore(%arg19 : memref<!tpu.dma_semaphore, #tpu.memory_space<semaphore_mem>>) src(%dma_wait3A_158 : memref<16384xf32, #tpu.memory_space<hbm>>) dst(%arg15 : memref<16384xf32, #tpu.memory_space<vmem>>)
      %iota3A_159 = tpu.iota {dimensions = array<i32: 0>} : vector<16xi32>
      %scan3A_160 = arith.constant 0 : i32
      %scan3A_161 = arith.constant 0 : i32
      %scan3A_162 = arith.constant 8 : i32
      %scan3A_163 = arith.addi %scan3A_161, %scan3A_162 : i32
      %scan3A_164 = arith.constant 1 : i32
      %scan3A_165 = scf.for %scan3A_175 = %scan3A_161 to %scan3A_163 step %scan3A_164 iter_args(%scan3A_176 = %scan3A_160) -> (i32)  : i32 {
        %mul3A_177 = arith.constant 8 : i32
        %mul3A_178 = arith.muli %add3A_142, %mul3A_177 : i32
        %add3A_179 = arith.addi %mul3A_178, %scan3A_175 : i32
        %mul3A_180 = arith.constant 16 : i32
        %mul3A_181 = arith.muli %add3A_179, %mul3A_180 : i32
        %get3A = arith.index_cast %mul3A_181 : i32 to index
        %get3A_182 = tpu.vector_load %arg10[%get3A] {strides = array<i32>} : memref<8192xi32, #tpu.memory_space<vmem>>, vector<16xi32>,
        %mul3A_183 = arith.constant 16 : i32
        %mul3A_184 = arith.muli %add3A_179, %mul3A_183 : i32
        %get3A_185 = arith.index_cast %mul3A_184 : i32 to index
        %get3A_186 = tpu.vector_load %arg11[%get3A_185] {strides = array<i32>} : memref<8192xi32, #tpu.memory_space<vmem>>, vector<16xi32>,
        %max3A = arith.constant 0 : i32
        %max3A_187 = vector.broadcast %max3A : i32 to vector<16xi32>
        %max3A_188 = arith.maxsi %get3A_182, %max3A_187 : vector<16xi32>
        %min3A = arith.constant 255 : i32
        %min3A_189 = vector.broadcast %min3A : i32 to vector<16xi32>
        %min3A_190 = arith.minsi %max3A_188, %min3A_189 : vector<16xi32>
        %max3A_191 = arith.constant 0 : i32
        %max3A_192 = vector.broadcast %max3A_191 : i32 to vector<16xi32>
        %max3A_193 = arith.maxsi %get3A_186, %max3A_192 : vector<16xi32>
        %min3A_194 = arith.constant 255 : i32
        %min3A_195 = vector.broadcast %min3A_194 : i32 to vector<16xi32>
        %min3A_196 = arith.minsi %max3A_193, %min3A_195 : vector<16xi32>
        %add3A_197 = arith.constant 256 : i32
        %add3A_198 = vector.broadcast %add3A_197 : i32 to vector<16xi32>
        %add3A_199 = arith.addi %min3A_196, %add3A_198 : vector<16xi32>
        %gather3A = tpu.vector_load_idx %arg9[%min3A_190] : memref<512xi32, #tpu.memory_space<vmem>>[vector<16xi32>], vector<16xi32>,
        %gather3A_200 = tpu.vector_load_idx %arg9[%add3A_199] : memref<512xi32, #tpu.memory_space<vmem>>[vector<16xi32>], vector<16xi32>,
        %mul3A_201 = arith.constant 2048 : i32
        %mul3A_202 = arith.muli %scan3A_175, %mul3A_201 : i32
        %add3A_203 = vector.broadcast %mul3A_202 : i32 to vector<16xi32>
        %add3A_204 = arith.addi %mul3A_5, %add3A_203 : vector<16xi32>
        %parallel_loop3A = arith.constant 0 : i32
        %parallel_loop3A_205 = arith.constant 64 : i32
        %parallel_loop3A_206 = arith.constant 1 : i32
        scf.for %parallel_loop3A_208 = %parallel_loop3A to %parallel_loop3A_205 step %parallel_loop3A_206  : i32 {
          %parallel_loop3A_209 = vector.broadcast %parallel_loop3A_208 : i32 to vector<16xi32>
          %parallel_loop3A_210 = arith.addi %iota3A_159, %parallel_loop3A_209 : vector<16xi32>
          %parallel_loop3A_211 = arith.constant 63 : i32
          %parallel_loop3A_212 = vector.broadcast %parallel_loop3A_211 : i32 to vector<16xi32>
          %parallel_loop3A_213 = arith.andi %parallel_loop3A_210, %parallel_loop3A_212 : vector<16xi32>
          %parallel_loop3A_214 = arith.addi %gather3A, %parallel_loop3A_213 : vector<16xi32>
          %parallel_loop3A_215 = tpu.vector_load_idx %arg8[%parallel_loop3A_214] : memref<2560xf32, #tpu.memory_space<vmem>>[vector<16xi32>], vector<16xf32>,
          %parallel_loop3A_216 = arith.addi %add3A_204, %parallel_loop3A_213 : vector<16xi32>
          tpu.vector_store_idx %arg15[%parallel_loop3A_216], %parallel_loop3A_215 {add = true} : memref<16384xf32, #tpu.memory_space<vmem>>[vector<16xi32>], vector<16xf32>,
          %parallel_loop3A_217 = arith.addi %gather3A_200, %parallel_loop3A_213 : vector<16xi32>
          %parallel_loop3A_218 = tpu.vector_load_idx %arg8[%parallel_loop3A_217] : memref<2560xf32, #tpu.memory_space<vmem>>[vector<16xi32>], vector<16xf32>,
          %parallel_loop3A_219 = arith.constant 64 : i32
          %parallel_loop3A_220 = vector.broadcast %parallel_loop3A_219 : i32 to vector<16xi32>
          %parallel_loop3A_221 = arith.addi %parallel_loop3A_220, %parallel_loop3A_213 : vector<16xi32>
          %parallel_loop3A_222 = arith.addi %add3A_204, %parallel_loop3A_221 : vector<16xi32>
          tpu.vector_store_idx %arg15[%parallel_loop3A_222], %parallel_loop3A_218 {add = true} : memref<16384xf32, #tpu.memory_space<vmem>>[vector<16xi32>], vector<16xf32>,
        } {sc.loop_unroll_factor = 8 : i64, sc.parallel_access}
        %scan3A_207 = arith.constant 0 : i32
        scf.yield %scan3A_207 : i32
      }
      %scan3A_166 = arith.constant 8 : i32
      %mul3A_167 = arith.constant 128 : i32
      %mul3A_168 = arith.muli %add3A_142, %mul3A_167 : i32
      %add3A_169 = arith.addi %mul3A_2, %mul3A_168 : i32
      %mul3A_170 = arith.constant 128 : i32
      %mul3A_171 = arith.muli %add3A_169, %mul3A_170 : i32
      %dma_start3A_172 = tpu.memref_slice %arg7[%mul3A_171] : memref<33554432xf32, #tpu.memory_space<hbm>> -> memref<16384xf32, #tpu.memory_space<hbm>>
      %dma_start3A_173 = tpu.memref_slice %arg7[%mul3A_171] : memref<33554432xf32, #tpu.memory_space<hbm>> -> memref<16384xf32, #tpu.memory_space<hbm>>
      tpu.enqueue_dma source(%arg15 : memref<16384xf32, #tpu.memory_space<vmem>>) target(%dma_start3A_173 : memref<16384xf32, #tpu.memory_space<hbm>>) target_semaphore(%arg23 : memref<!tpu.dma_semaphore, #tpu.memory_space<semaphore_mem>>)
      %scan3A_174 = arith.constant 0 : i32
      scf.yield %scan3A_174 : i32
    }
    %scan3A_23 = arith.constant 16 : i32
    %dma_wait3A_24 = arith.constant 0 : i32
    %dma_wait3A_25 = tpu.memref_slice %arg7[%dma_wait3A_24] : memref<33554432xf32, #tpu.memory_space<hbm>> -> memref<16384xf32, #tpu.memory_space<hbm>>
    %dma_wait3A_26 = arith.constant 0 : i32
    %dma_wait3A_27 = tpu.memref_slice %arg7[%dma_wait3A_26] : memref<33554432xf32, #tpu.memory_space<hbm>> -> memref<16384xf32, #tpu.memory_space<hbm>>
    tpu.wait_dma2 semaphore(%arg21 : memref<!tpu.dma_semaphore, #tpu.memory_space<semaphore_mem>>) src(%arg13 : memref<16384xf32, #tpu.memory_space<vmem>>) dst(%dma_wait3A_27 : memref<16384xf32, #tpu.memory_space<hbm>>)
    %dma_wait3A_28 = arith.constant 0 : i32
    %dma_wait3A_29 = tpu.memref_slice %arg7[%dma_wait3A_28] : memref<33554432xf32, #tpu.memory_space<hbm>> -> memref<16384xf32, #tpu.memory_space<hbm>>
    %dma_wait3A_30 = arith.constant 0 : i32
    %dma_wait3A_31 = tpu.memref_slice %arg7[%dma_wait3A_30] : memref<33554432xf32, #tpu.memory_space<hbm>> -> memref<16384xf32, #tpu.memory_space<hbm>>
    tpu.wait_dma2 semaphore(%arg22 : memref<!tpu.dma_semaphore, #tpu.memory_space<semaphore_mem>>) src(%arg14 : memref<16384xf32, #tpu.memory_space<vmem>>) dst(%dma_wait3A_31 : memref<16384xf32, #tpu.memory_space<hbm>>)
    %dma_wait3A_32 = arith.constant 0 : i32
    %dma_wait3A_33 = tpu.memref_slice %arg7[%dma_wait3A_32] : memref<33554432xf32, #tpu.memory_space<hbm>> -> memref<16384xf32, #tpu.memory_space<hbm>>
    %dma_wait3A_34 = arith.constant 0 : i32
    %dma_wait3A_35 = tpu.memref_slice %arg7[%dma_wait3A_34] : memref<33554432xf32, #tpu.memory_space<hbm>> -> memref<16384xf32, #tpu.memory_space<hbm>>
    tpu.wait_dma2 semaphore(%arg23 : memref<!tpu.dma_semaphore, #tpu.memory_space<semaphore_mem>>) src(%arg15 : memref<16384xf32, #tpu.memory_space<vmem>>) dst(%dma_wait3A_35 : memref<16384xf32, #tpu.memory_space<hbm>>)
    return
  }
}

</mosaic_0001>

<sc_bundles>
// kernel: kernel.3.cloned.1.call-start
scs
__scs_entry_jumppad:
0x0: {  	(pc) =	sbr.rel $0x88, $3  }
0x1: {  	(tag) =	ssettag $0x0;
	lr =	simm.s32 $0x1  }
0x2: {  	[smem:$0x3F9C] =	sst lr;
	_ =	strace $0xD0000000  }
0x3: {  	_ = 	snop  }
0x4: {  	_ = 	snop  }
0x5: {  	_ = 	snop  }
0x6: {  	_ = 	snop  }
0x7: {  	_ = 	snop  }
__scs_overlays_trampoline_lowered:
0x8: {  	[smem:$0x3FAB] =	sst s0  }
0x9: {  	[smem:$0x3FAC] =	sst s1  }
0xa: {  	[smem:$0x3FAD] =	sst s2  }
0xb: {  	[smem:$0x3FAE] =	sst s3  }
0xc: {  	[smem:$0x3FAF] =	sst s4  }
0xd: {  	[smem:$0x3FB0] =	sst s5  }
0xe: {  	[smem:$0x3FB1] =	sst s6  }
0xf: {  	[smem:$0x3FB2] =	sst s7  }
0x10: {  	[smem:$0x3FB3] =	sst s8  }
0x11: {  	[smem:$0x3FB4] =	sst s9;
	s0 =	simm.s32 @!p0 $0x0  }
0x12: {  	s1 =	sld [smem:$0x3F9A];
	s0 =	simm.s32 @p0 $0x1  }
0x13: {  	[smem:$0x3FB5] =	sst s0;
	s0 =	simm.s32 @!p1 $0x0  }
0x14: {  	s2 =	sld [smem:$0x3F99];
	s0 =	simm.s32 @p1 $0x1  }
0x15: {  	[smem:$0x3FB6] =	sst s0;
	s0 =	simm.s32 @!p2 $0x0  }
0x16: {  	s3 =	sld [smem:$0x3FDB];
	s0 =	simm.s32 @p2 $0x1  }
0x17: {  	s4 =	simm.s32 $0x1BF5;
	[smem:$0x3FB8] =	sst s0  }
0x18: {  	s0 =	sld [smem:$0x3F9B];
	_ =	swait.ge [sflag:s4], $0x0  }
0x19: {  	s7 =	sld [smem:$0x3F9C]  }
0x1a: {  	s8 =	sadd.s32 $0xFFFFE003, lr  }
0x1b: {  	s9 =	sadd.s32 $0xFFFFFEF7, lr;
	s5 =	simm.s32 $0xFFFFFFFF;
	p2 =	slt.u32 s8, $0xFFFFF086  }
0x1c: {  	p1 =	slt.u32 s9, $0xF7A;
	s5 =	simm.s32 @!p2 $0x0  }
0x1d: {  	s5 =	simm.s32 @p1 $0x1;
	p0 =	seq.s32 s7, s2  }
0x1e: {  	s7 =	smul.u32 @!p0 $0xF7A, s2;
	p2 =	seq.s32 @!p0 s5, $0x0  }
0x1f: {  	s9 =	smul.u32 $0xF7A, s1;
	s8 =	simm.s32 @!p0 $0x1BF5;
	p2 =	por !p2, p0  }
0x20: {  	[sflag:s8] =	ssyncset.s32 @!p0 $0xFFFFF086;
	s6 =	sadd.s32 @!p0 s3, s7;
	s7 =	simm.s32 @!p0 $0x108  }
0x21: {  	s3 =	sadd.s32 s3, s9;
	s6 =	sadd.s32 @!p0 $0x88, s6;
	s7 =	simm.s32 @p2 $0x1082  }
0x22: {  	[simem:s7], [sflag:s8] =	dma.local @!p0 [hbm:s6], $0xF7A  }
0x23: {  	s9 =	sor.u32 $0xD0000000, s2;
	s6 =	simm.s32 $0x108;
	_ =	swait.ge @!p0 [sflag:s8], $0x0  }
0x24: {  	s3 =	sadd.s32 $0x88, s3;
	s6 =	simm.s32 @!p1 $0x1082;
	[sflag:s4] =	ssyncset.s32 $0xFFFFF086  }
0x25: {  	[simem:s6], [sflag:s4] =	dma.local [hbm:s3], $0xF7A  }
0x26: {  	[smem:$0x3F9C] =	sst s1;
	(tag) =	ssettag s2;
	_ =	strace s9  }
0x27: {  	s1 =	sld [smem:$0x3FAC]  }
0x28: {  	s2 =	sld [smem:$0x3FAD]  }
0x29: {  	s4 =	sld [smem:$0x3FAF]  }
0x2a: {  	p0 =	seq.s32 s5, $0x0;
	s5 =	sld [smem:$0x3FB0]  }
0x2b: {  	s6 =	sld [smem:$0x3FB1]  }
0x2c: {  	s7 =	sld [smem:$0x3FB2]  }
0x2d: {  	s3 =	simm.s32 $0x108;
	s8 =	sld [smem:$0x3FB3]  }
0x2e: {  	s3 =	simm.s32 @!p0 $0x1082;
	s9 =	sld [smem:$0x3FB4]  }
0x2f: {  	lr =	sadd.s32 s0, s3;
	s0 =	sld [smem:$0x3FAB]  }
0x30: {  	s3 =	sld [smem:$0x3FAE]  }
0x31: {  	[smem:$0x3FB7] =	sst s10  }
0x32: {  	s10 =	sld [smem:$0x3FB5];
	_ =	sdelay $0x3  }
0x33: {  	p0 =	seq.s32 s10, $0x1;
	s10 =	sld [smem:$0x3FB7];
	_ =	sdelay $0x3  }
0x34: {  	[smem:$0x3FB7] =	sst s10  }
0x35: {  	s10 =	sld [smem:$0x3FB6];
	_ =	sdelay $0x3  }
0x36: {  	p1 =	seq.s32 s10, $0x1;
	s10 =	sld [smem:$0x3FB7];
	_ =	sdelay $0x3  }
0x37: {  	[smem:$0x3FB7] =	sst s10  }
0x38: {  	s10 =	sld [smem:$0x3FB8]  }
0x39: {  	_ = 	snop;
	(pc) =	sbr.ind lr, $3  }
0x3a: {  	_ = 	snop  }
0x3b: {  	_ = 	snop  }
0x3c: {  	p2 =	seq.s32 s10, $0x1;
	s10 =	sld [smem:$0x3FB7]  }
0x3d: {  	_ =	shalt  }
0x3e: {  	_ =	shalt  }
0x3f: {  	_ =	shalt  }
0x40: {  	_ =	shalt  }
0x41: {  	_ =	shalt  }
0x42: {  	_ =	shalt  }
0x43: {  	_ =	shalt  }
0x44: {  	_ =	shalt  }
0x45: {  	_ =	shalt  }
0x46: {  	_ =	shalt  }
0x47: {  	_ =	shalt  }
0x48: {  	_ =	shalt  }
0x49: {  	_ =	shalt  }
0x4a: {  	_ =	shalt  }
0x4b: {  	_ =	shalt  }
0x4c: {  	_ =	shalt  }
0x4d: {  	_ =	shalt  }
0x4e: {  	_ =	shalt  }
0x4f: {  	_ =	shalt  }
0x50: {  	_ =	shalt  }
0x51: {  	_ =	shalt  }
0x52: {  	_ =	shalt  }
0x53: {  	_ =	shalt  }
0x54: {  	_ =	shalt  }
0x55: {  	_ =	shalt  }
0x56: {  	_ =	shalt  }
0x57: {  	_ =	shalt  }
0x58: {  	_ =	shalt  }
0x59: {  	_ =	shalt  }
0x5a: {  	_ =	shalt  }
0x5b: {  	_ =	shalt  }
0x5c: {  	_ =	shalt  }
0x5d: {  	_ =	shalt  }
0x5e: {  	_ =	shalt  }
0x5f: {  	_ =	shalt  }
0x60: {  	_ =	shalt  }
0x61: {  	_ =	shalt  }
0x62: {  	_ =	shalt  }
0x63: {  	_ =	shalt  }
0x64: {  	_ =	shalt  }
0x65: {  	_ =	shalt  }
0x66: {  	_ =	shalt  }
0x67: {  	_ =	shalt  }
0x68: {  	_ =	shalt  }
0x69: {  	_ =	shalt  }
0x6a: {  	_ =	shalt  }
0x6b: {  	_ =	shalt  }
0x6c: {  	_ =	shalt  }
0x6d: {  	_ =	shalt  }
0x6e: {  	_ =	shalt  }
0x6f: {  	_ =	shalt  }
0x70: {  	_ =	shalt  }
0x71: {  	_ =	shalt  }
0x72: {  	_ =	shalt  }
0x73: {  	_ =	shalt  }
0x74: {  	_ =	shalt  }
0x75: {  	_ =	shalt  }
0x76: {  	_ =	shalt  }
0x77: {  	_ =	shalt  }
0x78: {  	_ =	shalt  }
0x79: {  	_ =	shalt  }
0x7a: {  	_ =	shalt  }
0x7b: {  	_ =	shalt  }
0x7c: {  	_ =	shalt  }
0x7d: {  	_ =	shalt  }
0x7e: {  	_ =	shalt  }
0x7f: {  	_ =	shalt  }
0x80: {  	_ =	shalt  }
0x81: {  	_ =	shalt  }
0x82: {  	_ =	shalt  }
0x83: {  	_ =	shalt  }
0x84: {  	_ =	shalt  }
0x85: {  	_ =	shalt  }
0x86: {  	_ =	shalt  }
0x87: {  	_ =	shalt  }
.Lfunc_end0:
.L_simem_size_0:
called_computation_lowered:
.L_overlay_start_0:
0x88: {  	s2 =	sld [smem:$0x3FD9]  }
0x89: {  	s3 =	sld [smem:$0x3FFE];
	_ =	sdelay $0x1  }
0x8a: {  	s1 =	srdreg.scid  }
0x8b: {  	s0 =	sand.u32 $0x1, s1  }
0x8c: {  	s17 =	sshll.u32 s0, $0xA;
	s2 =	sadd.s32 s3, s2  }
0x8d: {  	s2 =	sadd.s32 s2, s17  }
0x8e: {  	[smem:$0x3FC3] =	sst s2  }
0x8f: {  	_ = 	snop  }
0x90: {  	s2 =	sld [smem:$0x3FC9]  }
0x91: {  	s18 =	sld [smem:$0x3FD0];
	(tm) =	ssettm $0x1  }
0x92: {  	s4 =	sld [smem:$0x3FFB];
	_ =	sdelay $0x3  }
0x93: {  	_ =	strace s4  }
0x94: {  	s4 =	sld [smem:$0x3FFC];
	_ =	sdelay $0x3  }
0x95: {  	_ =	strace s4  }
0x96: {  	s4 =	sld [smem:$0x3FFD];
	_ =	sdelay $0x3  }
0x97: {  	_ =	strace s4  }
0x98: {  	_ =	strace $0x8FFFFFFF  }
0x99: {  	s19 =	sld [smem:$0x3FDB];
	_ =	sdelay $0x1  }
0x9a: {  	s5 =	simm.s32 $_scs_section_size  }
0x9b: {  	s6 =	simm.s32 $_size__tile_overlayer_lowered;
	s7 =	simm.s32 $_tile_overlayer_lowered  }
0x9c: {  	s22 =	simm.s32 $0x1BFF;
	s21 =	sshll.u32 s7, $0x1;
	s4 =	sadd.s32 s5, s19  }
0x9d: {  	s8 =	simm.s32 $0x0;
	s20 =	sshll.u32 s6, $0x1;
	s6 =	sadd.s32 s21, s4  }
0x9e: {  	[timem:s8], [sflag:s22] =	dma.local [hbm:s6], s20  }
0x9f: {  	_ =	swait.ge [sflag:s22], s20  }
0xa0: {  	s5 =	ssub.s32 $0x0, s20;
	[sflag:s22] =	ssyncset.done $0x0  }
0xa1: {  	[sflag:s22] =	ssyncadd.s32 s5;
	_ =	sdelay $0x1  }
0xa2: {  	s23 =	simm.s32 $0x1B8B  }
0xa3: {  	_ =	swait.ge [sflag:s23], $0x1  }
0xa4: {  	[sflag:s23] =	ssyncset.done $0x0  }
0xa5: {  	s25 =	simm.s32 $0x1B8E;
	s24 =	sld [smem:$0x3FFE];
	[sflag:s23] =	ssyncadd.s32 $0xFFFFFFFF  }
0xa6: {  	s26 =	simm.s32 $execute0_lowered;
	[smem:$0x3FD2] =	sst s25  }
0xa7: {  	s6 =	sshll.u32 s26, $0x1;
	_ =	strace $0x80000046;
	[dreg:$0x1] =	wrdreg $0xFFFFFFFF  }
0xa8: {  	s28 =	simm.s32 $_size_execute0_lowered;
	s4 =	sadd.s32 s4, s6;
	[dreg:$0x0] =	wrdreg $0x0  }
0xa9: {  	s6 =	sshll.u32 s28, $0x1;
	[dreg:$0x2] =	wrdreg s4  }
0xaa: {  	[dreg:$0x3] =	wrdreg s6  }
0xab: {  	[dreg:$0x4] =	wrdreg $0xC0  }
0xac: {  	_ =	task [dreg:s8], $0x5FFFF  }
0xad: {  	[dreg:$0x1] =	wrdreg $0xFFFFFFFF  }
0xae: {  	[dreg:$0x0] =	wrdreg $0x60  }
0xaf: {  	[dreg:$0x2] =	wrdreg s2  }
0xb0: {  	[dreg:$0x3] =	wrdreg s24  }
0xb1: {  	[dreg:$0x4] =	wrdreg s18  }
0xb2: {  	[dreg:$0x5] =	wrdreg $0x9  }
0xb3: {  	_ =	task.clear_ibuf [dreg:s8], $0x6FFFF;
	_ =	strace $0x90000046  }
0xb4: {  	s29 =	simm.s32 $0x9;
	_ =	strace $0x80000048  }
0xb5: {  	_ =	swait.ge [sflag:s29], $0x1  }
0xb6: {  	[sflag:s29] =	ssyncadd.s32 $0xFFFFFFFF  }
0xb7: {  	_ =	strace $0x90000048  }
0xb8: {  	_ =	sfence  }
0xb9: {  	s30 =	sld [smem:$0x0];
	_ =	sdelay $0x2  }
0xba: {  	s31 =	sshll.u32 s1, $0xD;
	s1 =	sshrl.u32 s1, $0x2  }
0xbb: {  	s3 =	sand.u32 $0x4000, s31;
	s1 =	sadd.s32 s1, s30  }
0xbc: {  	s0 =	sor.u32 s3, s0;
	s1 =	sshll.u32 s1, $0x11  }
0xbd: {  	s0 =	sor.u32 s1, s0  }
0xbe: {  	s0 =	sadd.s32 $0x8F2B, s0  }
0xbf: {  	[sflag:s0] =	ssyncadd.remote.s32 $0x1  }
0xc0: {  	_ =	sfence.sel $0xFFFF  }
0xc1: {  	[dreg:$0x0] =	wrdreg $0xFFFFFFFF;
	(pc) =	sbr.abs _section_cstart, $3  }
0xc2: {  	[dreg:$0x1] =	wrdreg $0xFFFFFFFF  }
0xc3: {  	_ =	task.clear_ibuf [dreg:s8], $0x2FFFF;
	_ =	strace $0x9FFFFFFF  }
0xc4: {  	(tm) =	ssettm $0x7FFFFFFF  }
0xc5: {  	_ =	shalt  }
tec
execute0_lowered:
.L_overlay_start_1:
0x0: {  	(tag) =	ssettag $0x1  }
0x1: {  	s1 =	rddreg [dreg:$0x0]  }
0x2: {  	s0 =	rddreg [dreg:$0x1]  }
0x3: {  	s2 =	srdreg.scid;
	s4 =	stileid.u32  }
0x4: {  	s3 =	rddreg [dreg:$0x2];
	s14 =	simm.s32 $0x4C00;
	s15 =	simm.s32 $0xA00  }
0x5: {  	s18 =	simm.s32 $0x2;
	s19 =	simm.s32 $0x8C00;
	s20 =	simm.s32 $0x1  }
0x6: {  	s21 =	simm.s32 $0xCC00;
	s22 =	simm.s32 $0x10C00;
	s23 =	simm.s32 $0x3  }
0x7: {  	s29 =	simm.s32 $0x8;
	s30 =	simm.s32 $0x0;
	s2 =	sand.u32 $0x1, s2  }
0x8: {  	s5 =	sshll.u32 s4, $0x1;
	s4 =	simm.s32 $0x0;
	s24 =	sadd.s32 $0x10600, s0  }
0x9: {  	s5 =	sor.u32 s2, s5;
	[smem:$0x7FF] =	sst s4;
	s2 =	ssub.s32 $0x2, s2  }
0xa: {  	s6 =	sshll.u32 s5, $0xA;
	_ =	strace $0x80000047;
	[dreg:$0x4] =	wrdreg s24  }
0xb: {  	s8 =	sshrl.u32 s2, $0x1;
	s7 =	sadd.s32 s6, s0;
	s0 =	sadd.s32 $0x400, s0  }
0xc: {  	s24 =	simm.s32 $0x5;
	[dreg:$0x5] =	wrdreg s0;
	s28 =	sadd.s32 $0x600, s7  }
0xd: {  	v0 =	vlaneseq.u32;
	s6 =	sshll.u32 s5, $0x11;
	s31 =	sadd.s32 $0x8600, s7;
	[dreg:$0x7] =	wrdreg s28  }
0xe: {  	v1 =	vmul.u32 $0x80, v0;
	s25 =	ssub.s32 s2, s8;
	s26 =	sadd.s32 s1, s6;
	[dreg:$0x8] =	wrdreg s31  }
0xf: {  	s11 =	sadd.s32 s3, s6;
	s0 =	smax.u32 s25, $0x1;
	[dreg:$0x6] =	wrdreg s26  }
0x10: {  	v2 =	vor.u32 $0x40, v1;
	s25 =	simm.s32 $0x4;
	s12 =	sadd.s32 $0x2000, s26;
	[dreg:$0x9] =	wrdreg s0  }
.LBB2_1:
0x11: {  	s0 =	rddreg [dreg:$0x6]  }
0x12: {  	[tilespmem:s14], [sflag:$0x1] =	stream.linear.gather [hbm4b:s0+s4], $0x4000, $0x38;
	[tilespmem:$0x14C00] =	vst v63  }
0x13: {  	s13 =	rddreg [dreg:$0x4]  }
0x14: {  	[tilespmem:s15], [sflag:$0x2] =	stream.linear.gather [hbm4b:s13+s4], $0x200, $0x38;
	[tilespmem:$0x14C00] =	vst v63  }
0x15: {  	s16 =	rddreg [dreg:$0x5]  }
0x16: {  	[tilespmem:s4], [sflag:$0x2] =	stream.linear.gather [hbm4b:s16+s4], $0xA00, $0x38;
	[tilespmem:$0x14C00] =	vst v63  }
0x17: {  	s17 =	rddreg [dreg:$0x7];
	s2 =	simm.s32 $0xC00  }
0x18: {  	[tilespmem:s2], [sflag:$0x2] =	stream.linear.gather [hbm4b:s17+s4], $0x2000, $0x38;
	[tilespmem:$0x14C00] =	vst v63  }
0x19: {  	s26 =	rddreg [dreg:$0x8];
	s28 =	simm.s32 $0x2C00  }
0x1a: {  	[tilespmem:s28], [sflag:$0x2] =	stream.linear.gather [hbm4b:s26+s4], $0x2000, $0x38;
	[tilespmem:$0x14C00] =	vst v63  }
0x1b: {  	_ =	swait.ge [sflag:s18], $0x200  }
0x1c: {  	[sflag:s18] =	ssyncset.done $0x0  }
0x1d: {  	[sflag:s18] =	ssyncadd.s32 $0xFFFFFE00  }
0x1e: {  	_ =	swait.ge [sflag:s18], $0xA00  }
0x1f: {  	[sflag:s18] =	ssyncset.done $0x0  }
0x20: {  	[sflag:s18] =	ssyncadd.s32 $0xFFFFF600  }
0x21: {  	_ =	swait.ge [sflag:s18], $0x2000  }
0x22: {  	[sflag:s18] =	ssyncset.done $0x0  }
0x23: {  	[sflag:s18] =	ssyncadd.s32 $0xFFFFE000  }
0x24: {  	_ =	swait.ge [sflag:s18], $0x2000  }
0x25: {  	[sflag:s18] =	ssyncset.done $0x0  }
0x26: {  	s31 =	simm.s32 $0x0;
	[sflag:s18] =	ssyncadd.s32 $0xFFFFE000  }
.LBB2_2:
0x27: {  	s0 =	sshll.u32 s31, $0x2;
	p0 =	seq.s32 s31, $0x0  }
0x28: {  	s2 =	simm.s32 @!p0 $0x6;
	s5 =	sor.u32 $0x1, s0  }
0x29: {  	_ =	swait.ge @!p0 [sflag:s2], $0x4000;
	s7 =	sshll.u32 s5, $0xB  }
0x2a: {  	[sflag:s2] =	ssyncset.done @!p0 $0x0;
	s16 =	sadd.s32 s6, s7  }
0x2b: {  	[sflag:s2] =	ssyncadd.s32 @!p0 $0xFFFFC000;
	s7 =	sadd.s32 s1, s16;
	s2 =	simm.s32 $0x0  }
0x2c: {  	[tilespmem:s19], [sflag:$0x2] =	stream.linear.gather [hbm4b:s7+s2], $0x4000, $0x38;
	[tilespmem:$0x14C00] =	vst v63  }
0x2d: {  	_ =	swait.ge [sflag:s20], $0x4000  }
0x2e: {  	s28 =	sshll.u32 s31, $0x9;
	[sflag:s20] =	ssyncset.done $0x0  }
0x2f: {  	v3 =	vmov s28;
	s7 =	simm.s32 $0x0;
	[sflag:s20] =	ssyncadd.s32 $0xFFFFC000  }
.LBB2_3:
0x30: {  	_ =	sdelay $0x2  }
0x31: {  	s9 =	sshll.u32 s7, $0x4  }
0x32: {  	v4 =	vld.idx.msk [tilespmem:v3+s9+$0xC00 ss:$0x1], $0xffff;
	_ =	sdelay $0x4  }
0x33: {  	vm0 =	vgt.s32 v4, $0x0  }
0x34: {  	v4 =	vnsel vm0, $0x0, v4  }
0x35: {  	v4 =	vmin.u32 v4, $0xFF  }
0x36: {  	v5 =	vld.idx.msk [tilespmem:v3+s9+$0x2C00 ss:$0x1], $0xffff;
	_ =	sdelay $0x3  }
0x37: {  	v4 =	vld.idx.msk [tilespmem:v4+s15+$0x0], $0xffff  }
0x38: {  	vm15 =	vgt.s32 v5, $0x0  }
0x39: {  	s28 =	simm.s32 $0x1;
	v5 =	vnsel vm15, $0x0, v5  }
0x3a: {  	v10 =	vadd.s32 s28, v0;
	v5 =	vmin.u32 v5, $0xFF  }
0x3b: {  	v11 =	vadd.s32 s2, v0;
	s8 =	simm.s32 $0x2;
	v9 =	vand.u32 $0x3F, v10;
	v5 =	vor.u32 $0x100, v5  }
0x3c: {  	s10 =	simm.s32 $0x4;
	v12 =	vand.u32 $0x3F, v11;
	v13 =	vadd.s32 s8, v0;
	v7 =	vadd.s32 v4, v9  }
0x3d: {  	s13 =	simm.s32 $0x5;
	v8 =	vadd.s32 s10, v0;
	v15 =	vand.u32 $0x3F, v13;
	v14 =	vadd.s32 v4, v12  }
0x3e: {  	s10 =	simm.s32 $0x6;
	v18 =	vadd.s32 s13, v0;
	v17 =	vand.u32 $0x3F, v8;
	v16 =	vadd.s32 v4, v15  }
0x3f: {  	s28 =	simm.s32 $0x3;
	v20 =	vadd.s32 s10, v0;
	v21 =	vand.u32 $0x3F, v18;
	v19 =	vadd.s32 v4, v17  }
0x40: {  	s17 =	simm.s32 $0x7;
	v28 =	vadd.s32 s28, v0;
	v23 =	vand.u32 $0x3F, v20;
	v5 =	vld.idx.msk [tilespmem:v5+s15+$0x0], $0xffff;
	v22 =	vadd.s32 v4, v21  }
0x41: {  	v6 =	vadd.s32 s17, v0;
	v30 =	vand.u32 $0x3F, v28;
	v25 =	vadd.s32 v4, v23;
	v24 =	vld.idx.msk [tilespmem:v7+s4+$0x0], $0xffff  }
0x42: {  	s26 =	sshll.u32 s7, $0xB;
	v26 =	vand.u32 $0x3F, v6;
	v31 =	vadd.s32 v4, v30;
	v14 =	vld.idx.msk [tilespmem:v14+s4+$0x0], $0xffff  }
0x43: {  	v27 =	vadd.s32 v4, v26;
	v7 =	vor.u32 s26, v1;
	v16 =	vld.idx.msk [tilespmem:v16+s4+$0x0], $0xffff  }
0x44: {  	v19 =	vld.idx.msk [tilespmem:v19+s4+$0x0], $0xffff;
	v29 =	vor.u32 v7, v12  }
0x45: {  	v22 =	vld.idx.msk [tilespmem:v22+s4+$0x0], $0xffff;
	v32 =	vor.u32 v7, v9  }
0x46: {  	v25 =	vld.idx.msk [tilespmem:v25+s4+$0x0], $0xffff;
	v57 =	vor.u32 v7, v17  }
0x47: {  	v31 =	vld.idx.msk [tilespmem:v31+s4+$0x0], $0xffff;
	v58 =	vor.u32 v7, v30  }
0x48: {  	v27 =	vld.idx.msk [tilespmem:v27+s4+$0x0], $0xffff;
	v63 =	vor.u32 v7, v26  }
0x49: {  	v12 =	vadd.s32 v5, v12;
	[tilespmem:v29+s14+$0x0] =	vst.idx.add.f32.msk $0xffff, v14  }
0x4a: {  	v33 =	vadd.s32 v5, v9;
	[tilespmem:v32+s14+$0x0] =	vst.idx.add.f32.msk $0xffff, v24  }
0x4b: {  	v14 =	vor.u32 v7, v15;
	[tilespmem:v57+s14+$0x0] =	vst.idx.add.f32.msk $0xffff, v19  }
0x4c: {  	v19 =	vor.u32 v7, v23;
	[tilespmem:v58+s14+$0x0] =	vst.idx.add.f32.msk $0xffff, v31  }
0x4d: {  	v9 =	vor.u32 s26, v2;
	v15 =	vadd.s32 v5, v15;
	[tilespmem:v63+s14+$0x0] =	vst.idx.add.f32.msk $0xffff, v27  }
0x4e: {  	v59 =	vor.u32 v11, v9;
	v12 =	vld.idx.msk [tilespmem:v12+s4+$0x0], $0xffff  }
0x4f: {  	v60 =	vadd.s32 v5, v23;
	v11 =	vld.idx.msk [tilespmem:v33+s4+$0x0], $0xffff  }
0x50: {  	[tilespmem:v14+s14+$0x0] =	vst.idx.add.f32.msk $0xffff, v16;
	v14 =	vor.u32 v7, v21  }
0x51: {  	v16 =	vadd.s32 v5, v21;
	[tilespmem:v19+s14+$0x0] =	vst.idx.add.f32.msk $0xffff, v25  }
0x52: {  	v62 =	vadd.s32 v5, v30;
	v15 =	vld.idx.msk [tilespmem:v15+s4+$0x0], $0xffff  }
0x53: {  	v61 =	vor.u32 v13, v9;
	[tilespmem:v59+s14+$0x0] =	vst.idx.add.f32.msk $0xffff, v12  }
0x54: {  	v13 =	vld.idx.msk [tilespmem:v60+s4+$0x0], $0xffff  }
0x55: {  	v19 =	vadd.s32 v5, v26;
	[tilespmem:v14+s14+$0x0] =	vst.idx.add.f32.msk $0xffff, v22  }
0x56: {  	v12 =	vld.idx.msk [tilespmem:v16+s4+$0x0], $0xffff;
	v16 =	vadd.s32 v5, v17  }
0x57: {  	v10 =	vor.u32 v10, v9;
	v18 =	vor.u32 v18, v9;
	v14 =	vld.idx.msk [tilespmem:v62+s4+$0x0], $0xffff  }
0x58: {  	s9 =	simm.s32 $0x8;
	[tilespmem:v61+s14+$0x0] =	vst.idx.add.f32.msk $0xffff, v15;
	v17 =	vor.u32 v20, v9;
	v15 =	vor.u32 v28, v9  }
.LBB2_4:
0x59: {  	s10 =	sadd.s32 $0x1, s9  }
0x5a: {  	v20 =	vadd.s32 s9, v0;
	s17 =	sadd.s32 $0x6, s9;
	s13 =	sadd.s32 $0x7, s9;
	v21 =	vor.u32 v8, v9;
	v19 =	vld.idx.msk [tilespmem:v19+s4+$0x0], $0xffff;
	v22 =	vor.u32 v6, v9;
	s8 =	smov.u32 s9  }
0x5b: {  	p1 =	slt.u32 s9, $0x38;
	s9 =	sadd.s32 $0x8, s9;
	v23 =	vadd.s32 s10, v0;
	s10 =	sadd.s32 $0x2, s8;
	v24 =	vadd.s32 s17, v0;
	v6 =	vadd.s32 s13, v0;
	v16 =	vld.idx.msk [tilespmem:v16+s4+$0x0], $0xffff  }
0x5c: {  	v25 =	vand.u32 $0x3F, v20;
	v26 =	vand.u32 $0x3F, v23;
	v27 =	vadd.s32 s10, v0;
	s10 =	sadd.s32 $0x3, s8;
	[tilespmem:v18+s14+$0x0] =	vst.idx.add.f32.msk $0xffff, v12  }
0x5d: {  	s13 =	sadd.s32 $0x4, s8;
	v12 =	vadd.s32 v4, v25;
	v18 =	vadd.s32 v4, v26;
	v28 =	vand.u32 $0x3F, v27;
	[tilespmem:v17+s14+$0x0] =	vst.idx.add.f32.msk $0xffff, v13  }
0x5e: {  	v8 =	vadd.s32 s13, v0;
	s8 =	sadd.s32 $0x5, s8;
	v29 =	vadd.s32 s10, v0;
	v13 =	vadd.s32 v4, v28;
	[tilespmem:v15+s14+$0x0] =	vst.idx.add.f32.msk $0xffff, v14  }
0x5f: {  	v17 =	vadd.s32 s8, v0;
	v14 =	vand.u32 $0x3F, v29;
	v15 =	vand.u32 $0x3F, v8;
	[tilespmem:v10+s14+$0x0] =	vst.idx.add.f32.msk $0xffff, v11  }
0x60: {  	v10 =	vor.u32 v23, v9;
	v11 =	vadd.s32 v4, v15;
	v23 =	vand.u32 $0x3F, v17;
	[tilespmem:v22+s14+$0x0] =	vst.idx.add.f32.msk $0xffff, v19  }
0x61: {  	v19 =	vadd.s32 v4, v23;
	v22 =	vand.u32 $0x3F, v24;
	[tilespmem:v21+s14+$0x0] =	vst.idx.add.f32.msk $0xffff, v16  }
0x62: {  	v21 =	vand.u32 $0x3F, v6;
	v16 =	vld.idx.msk [tilespmem:v18+s4+$0x0], $0xffff;
	v18 =	vadd.s32 v4, v22  }
0x63: {  	v30 =	vadd.s32 v4, v21;
	v12 =	vld.idx.msk [tilespmem:v12+s4+$0x0], $0xffff  }
0x64: {  	v31 =	vor.u32 v7, v25;
	v13 =	vld.idx.msk [tilespmem:v13+s4+$0x0], $0xffff  }
0x65: {  	v25 =	vadd.s32 v5, v25;
	v32 =	vld.idx.msk [tilespmem:v11+s4+$0x0], $0xffff  }
0x66: {  	v11 =	vadd.s32 v4, v14;
	v19 =	vld.idx.msk [tilespmem:v19+s4+$0x0], $0xffff  }
0x67: {  	v33 =	vor.u32 v7, v26;
	v18 =	vld.idx.msk [tilespmem:v18+s4+$0x0], $0xffff  }
0x68: {  	v26 =	vadd.s32 v5, v26;
	v30 =	vld.idx.msk [tilespmem:v30+s4+$0x0], $0xffff  }
0x69: {  	[tilespmem:v31+s14+$0x0] =	vst.idx.add.f32.msk $0xffff, v12;
	v12 =	vor.u32 v7, v28  }
0x6a: {  	v31 =	vor.u32 v7, v15;
	v25 =	vld.idx.msk [tilespmem:v25+s4+$0x0], $0xffff  }
0x6b: {  	v28 =	vadd.s32 v5, v28;
	v34 =	vld.idx.msk [tilespmem:v11+s4+$0x0], $0xffff  }
0x6c: {  	[tilespmem:v33+s14+$0x0] =	vst.idx.add.f32.msk $0xffff, v16;
	v16 =	vor.u32 v7, v14  }
0x6d: {  	v20 =	vor.u32 v20, v9;
	v11 =	vld.idx.msk [tilespmem:v26+s4+$0x0], $0xffff  }
0x6e: {  	[tilespmem:v12+s14+$0x0] =	vst.idx.add.f32.msk $0xffff, v13;
	v12 =	vor.u32 v7, v23  }
0x6f: {  	v13 =	vadd.s32 v5, v23;
	[tilespmem:v31+s14+$0x0] =	vst.idx.add.f32.msk $0xffff, v32  }
0x70: {  	v26 =	vor.u32 v7, v22;
	v23 =	vld.idx.msk [tilespmem:v28+s4+$0x0], $0xffff  }
0x71: {  	v22 =	vadd.s32 v5, v22;
	[tilespmem:v16+s14+$0x0] =	vst.idx.add.f32.msk $0xffff, v34  }
0x72: {  	[tilespmem:v20+s14+$0x0] =	vst.idx.add.f32.msk $0xffff, v25;
	v20 =	vor.u32 v27, v9  }
0x73: {  	v14 =	vadd.s32 v5, v14;
	[tilespmem:v12+s14+$0x0] =	vst.idx.add.f32.msk $0xffff, v19  }
0x74: {  	v25 =	vor.u32 v7, v21;
	v12 =	vld.idx.msk [tilespmem:v13+s4+$0x0], $0xffff  }
.Ltmp0:
0x75: {  	v16 =	vadd.s32 v5, v15;
	v19 =	vadd.s32 v5, v21;
	[tilespmem:v26+s14+$0x0] =	vst.idx.add.f32.msk $0xffff, v18;
	(pc) =	sbr.rel @p1 .LBB2_4-.Ltmp0, $4  }
0x76: {  	v13 =	vld.idx.msk [tilespmem:v22+s4+$0x0], $0xffff  }
0x77: {  	v18 =	vor.u32 v17, v9;
	[tilespmem:v20+s14+$0x0] =	vst.idx.add.f32.msk $0xffff, v23  }
0x78: {  	v17 =	vor.u32 v24, v9;
	v14 =	vld.idx.msk [tilespmem:v14+s4+$0x0], $0xffff  }
0x79: {  	v15 =	vor.u32 v29, v9;
	[tilespmem:v25+s14+$0x0] =	vst.idx.add.f32.msk $0xffff, v30  }
0x7a: {  	_ =	sdelay $0x3  }
0x7b: {  	v4 =	vld.idx.msk [tilespmem:v19+s4+$0x0], $0xffff  }
0x7c: {  	v5 =	vor.u32 v6, v9;
	v63 =	vld.idx.msk [tilespmem:v16+s4+$0x0], $0xffff;
	s7 =	sadd.s32 $0x1, s7  }
0x7d: {  	v7 =	vor.u32 v8, v9;
	[tilespmem:v18+s14+$0x0] =	vst.idx.add.f32.msk $0xffff, v12;
	p1 =	sne.s32 s7, $0x8  }
.Ltmp1:
0x7e: {  	[tilespmem:v10+s14+$0x0] =	vst.idx.add.f32.msk $0xffff, v11;
	(pc) =	sbr.rel @p1 .LBB2_3-.Ltmp1, $4  }
0x7f: {  	[tilespmem:v17+s14+$0x0] =	vst.idx.add.f32.msk $0xffff, v13  }
0x80: {  	[tilespmem:v15+s14+$0x0] =	vst.idx.add.f32.msk $0xffff, v14  }
0x81: {  	[tilespmem:v5+s14+$0x0] =	vst.idx.add.f32.msk $0xffff, v4  }
0x82: {  	[tilespmem:v7+s14+$0x0] =	vst.idx.add.f32.msk $0xffff, v63  }
0x83: {  	s2 =	sshll.u32 s31, $0xD  }
0x84: {  	s7 =	sadd.s32 s2, s11  }
0x85: {  	[hbm4b:s7+s4] =	stream.linear.scatter [tilespmem:s14], [sflag:$0x5], $0x4000, $0x38;
	[tilespmem:$0x14C00] =	vst v63  }
0x86: {  	s8 =	simm.s32 @!p0 $0x7;
	s7 =	sor.u32 $0x2, s0  }
0x87: {  	_ =	swait.ge @!p0 [sflag:s8], $0x4000;
	s9 =	sshll.u32 s7, $0xB  }
0x88: {  	[sflag:s8] =	ssyncset.done @!p0 $0x0;
	s17 =	sadd.s32 s6, s9  }
0x89: {  	s9 =	simm.s32 $0x0;
	[sflag:s8] =	ssyncadd.s32 @!p0 $0xFFFFC000;
	s28 =	sadd.s32 s1, s17  }
0x8a: {  	[tilespmem:s21], [sflag:$0x3] =	stream.linear.gather [hbm4b:s28+s9], $0x4000, $0x38;
	[tilespmem:$0x14C00] =	vst v63  }
0x8b: {  	_ =	swait.ge [sflag:s18], $0x4000  }
0x8c: {  	s5 =	sshll.u32 s5, $0x7;
	[sflag:s18] =	ssyncset.done $0x0  }
0x8d: {  	v3 =	vmov s5;
	s5 =	simm.s32 $0x0;
	[sflag:s18] =	ssyncadd.s32 $0xFFFFC000  }
.LBB2_7:
0x8e: {  	_ =	sdelay $0x2  }
0x8f: {  	s8 =	sshll.u32 s5, $0x4  }
0x90: {  	v4 =	vld.idx.msk [tilespmem:v3+s8+$0xC00 ss:$0x1], $0xffff;
	_ =	sdelay $0x4  }
0x91: {  	vm0 =	vgt.s32 v4, $0x0  }
0x92: {  	v4 =	vnsel vm0, $0x0, v4  }
0x93: {  	v4 =	vmin.u32 v4, $0xFF  }
0x94: {  	v5 =	vld.idx.msk [tilespmem:v3+s8+$0x2C00 ss:$0x1], $0xffff;
	_ =	sdelay $0x3  }
0x95: {  	v4 =	vld.idx.msk [tilespmem:v4+s15+$0x0], $0xffff  }
0x96: {  	vm15 =	vgt.s32 v5, $0x0  }
0x97: {  	s10 =	simm.s32 $0x1;
	v5 =	vnsel vm15, $0x0, v5  }
0x98: {  	v10 =	vadd.s32 s10, v0;
	v5 =	vmin.u32 v5, $0xFF  }
0x99: {  	v11 =	vadd.s32 s9, v0;
	s13 =	simm.s32 $0x2;
	v9 =	vand.u32 $0x3F, v10;
	v5 =	vor.u32 $0x100, v5  }
0x9a: {  	s26 =	simm.s32 $0x4;
	v12 =	vand.u32 $0x3F, v11;
	v13 =	vadd.s32 s13, v0;
	v7 =	vadd.s32 v4, v9  }
0x9b: {  	s28 =	simm.s32 $0x5;
	v8 =	vadd.s32 s26, v0;
	v15 =	vand.u32 $0x3F, v13;
	v14 =	vadd.s32 v4, v12  }
0x9c: {  	s10 =	simm.s32 $0x6;
	v18 =	vadd.s32 s28, v0;
	v17 =	vand.u32 $0x3F, v8;
	v16 =	vadd.s32 v4, v15  }
0x9d: {  	s28 =	simm.s32 $0x3;
	v20 =	vadd.s32 s10, v0;
	v21 =	vand.u32 $0x3F, v18;
	v19 =	vadd.s32 v4, v17  }
0x9e: {  	s13 =	simm.s32 $0x7;
	v28 =	vadd.s32 s28, v0;
	v23 =	vand.u32 $0x3F, v20;
	v5 =	vld.idx.msk [tilespmem:v5+s15+$0x0], $0xffff;
	v22 =	vadd.s32 v4, v21  }
0x9f: {  	v6 =	vadd.s32 s13, v0;
	v30 =	vand.u32 $0x3F, v28;
	v25 =	vadd.s32 v4, v23;
	v24 =	vld.idx.msk [tilespmem:v7+s4+$0x0], $0xffff  }
0xa0: {  	s26 =	sshll.u32 s5, $0xB;
	v26 =	vand.u32 $0x3F, v6;
	v31 =	vadd.s32 v4, v30;
	v14 =	vld.idx.msk [tilespmem:v14+s4+$0x0], $0xffff  }
0xa1: {  	v27 =	vadd.s32 v4, v26;
	v7 =	vor.u32 s26, v1;
	v16 =	vld.idx.msk [tilespmem:v16+s4+$0x0], $0xffff  }
0xa2: {  	v19 =	vld.idx.msk [tilespmem:v19+s4+$0x0], $0xffff;
	v29 =	vor.u32 v7, v12  }
0xa3: {  	v22 =	vld.idx.msk [tilespmem:v22+s4+$0x0], $0xffff;
	v32 =	vor.u32 v7, v9  }
0xa4: {  	v25 =	vld.idx.msk [tilespmem:v25+s4+$0x0], $0xffff;
	v57 =	vor.u32 v7, v17  }
0xa5: {  	v31 =	vld.idx.msk [tilespmem:v31+s4+$0x0], $0xffff;
	v58 =	vor.u32 v7, v30  }
0xa6: {  	v27 =	vld.idx.msk [tilespmem:v27+s4+$0x0], $0xffff;
	v63 =	vor.u32 v7, v26  }
0xa7: {  	v12 =	vadd.s32 v5, v12;
	[tilespmem:v29+s19+$0x0] =	vst.idx.add.f32.msk $0xffff, v14  }
0xa8: {  	v33 =	vadd.s32 v5, v9;
	[tilespmem:v32+s19+$0x0] =	vst.idx.add.f32.msk $0xffff, v24  }
0xa9: {  	v14 =	vor.u32 v7, v15;
	[tilespmem:v57+s19+$0x0] =	vst.idx.add.f32.msk $0xffff, v19  }
0xaa: {  	v19 =	vor.u32 v7, v23;
	[tilespmem:v58+s19+$0x0] =	vst.idx.add.f32.msk $0xffff, v31  }
0xab: {  	v9 =	vor.u32 s26, v2;
	v15 =	vadd.s32 v5, v15;
	[tilespmem:v63+s19+$0x0] =	vst.idx.add.f32.msk $0xffff, v27  }
0xac: {  	v59 =	vor.u32 v11, v9;
	v12 =	vld.idx.msk [tilespmem:v12+s4+$0x0], $0xffff  }
0xad: {  	v60 =	vadd.s32 v5, v23;
	v11 =	vld.idx.msk [tilespmem:v33+s4+$0x0], $0xffff  }
0xae: {  	[tilespmem:v14+s19+$0x0] =	vst.idx.add.f32.msk $0xffff, v16;
	v14 =	vor.u32 v7, v21  }
0xaf: {  	v16 =	vadd.s32 v5, v21;
	[tilespmem:v19+s19+$0x0] =	vst.idx.add.f32.msk $0xffff, v25  }
0xb0: {  	v62 =	vadd.s32 v5, v30;
	v15 =	vld.idx.msk [tilespmem:v15+s4+$0x0], $0xffff  }
0xb1: {  	v61 =	vor.u32 v13, v9;
	[tilespmem:v59+s19+$0x0] =	vst.idx.add.f32.msk $0xffff, v12  }
0xb2: {  	v13 =	vld.idx.msk [tilespmem:v60+s4+$0x0], $0xffff  }
0xb3: {  	v19 =	vadd.s32 v5, v26;
	[tilespmem:v14+s19+$0x0] =	vst.idx.add.f32.msk $0xffff, v22  }
0xb4: {  	v12 =	vld.idx.msk [tilespmem:v16+s4+$0x0], $0xffff;
	v16 =	vadd.s32 v5, v17  }
0xb5: {  	v10 =	vor.u32 v10, v9;
	v18 =	vor.u32 v18, v9;
	v14 =	vld.idx.msk [tilespmem:v62+s4+$0x0], $0xffff  }
0xb6: {  	s10 =	simm.s32 $0x8;
	[tilespmem:v61+s19+$0x0] =	vst.idx.add.f32.msk $0xffff, v15;
	v17 =	vor.u32 v20, v9;
	v15 =	vor.u32 v28, v9  }
.LBB2_8:
0xb7: {  	s8 =	sadd.s32 $0x1, s10  }
0xb8: {  	v20 =	vadd.s32 s10, v0;
	s13 =	sadd.s32 $0x6, s10;
	s26 =	sadd.s32 $0x7, s10;
	v21 =	vor.u32 v8, v9;
	v19 =	vld.idx.msk [tilespmem:v19+s4+$0x0], $0xffff;
	v22 =	vor.u32 v6, v9;
	s28 =	smov.u32 s10  }
0xb9: {  	p1 =	slt.u32 s10, $0x38;
	s10 =	sadd.s32 $0x8, s10;
	v23 =	vadd.s32 s8, v0;
	s8 =	sadd.s32 $0x2, s28;
	v24 =	vadd.s32 s13, v0;
	v6 =	vadd.s32 s26, v0;
	v16 =	vld.idx.msk [tilespmem:v16+s4+$0x0], $0xffff  }
0xba: {  	v25 =	vand.u32 $0x3F, v20;
	v26 =	vand.u32 $0x3F, v23;
	v27 =	vadd.s32 s8, v0;
	s8 =	sadd.s32 $0x3, s28;
	[tilespmem:v18+s19+$0x0] =	vst.idx.add.f32.msk $0xffff, v12  }
0xbb: {  	s13 =	sadd.s32 $0x4, s28;
	v12 =	vadd.s32 v4, v25;
	v18 =	vadd.s32 v4, v26;
	v28 =	vand.u32 $0x3F, v27;
	[tilespmem:v17+s19+$0x0] =	vst.idx.add.f32.msk $0xffff, v13  }
0xbc: {  	v8 =	vadd.s32 s13, v0;
	v29 =	vadd.s32 s8, v0;
	s8 =	sadd.s32 $0x5, s28;
	v13 =	vadd.s32 v4, v28;
	[tilespmem:v15+s19+$0x0] =	vst.idx.add.f32.msk $0xffff, v14  }
0xbd: {  	v14 =	vand.u32 $0x3F, v29;
	v15 =	vand.u32 $0x3F, v8;
	v17 =	vadd.s32 s8, v0;
	[tilespmem:v10+s19+$0x0] =	vst.idx.add.f32.msk $0xffff, v11  }
0xbe: {  	v10 =	vor.u32 v23, v9;
	v11 =	vadd.s32 v4, v15;
	v23 =	vand.u32 $0x3F, v17;
	[tilespmem:v22+s19+$0x0] =	vst.idx.add.f32.msk $0xffff, v19  }
0xbf: {  	v19 =	vadd.s32 v4, v23;
	v22 =	vand.u32 $0x3F, v24;
	[tilespmem:v21+s19+$0x0] =	vst.idx.add.f32.msk $0xffff, v16  }
0xc0: {  	v21 =	vand.u32 $0x3F, v6;
	v16 =	vld.idx.msk [tilespmem:v18+s4+$0x0], $0xffff;
	v18 =	vadd.s32 v4, v22  }
0xc1: {  	v30 =	vadd.s32 v4, v21;
	v12 =	vld.idx.msk [tilespmem:v12+s4+$0x0], $0xffff  }
0xc2: {  	v31 =	vor.u32 v7, v25;
	v13 =	vld.idx.msk [tilespmem:v13+s4+$0x0], $0xffff  }
0xc3: {  	v25 =	vadd.s32 v5, v25;
	v32 =	vld.idx.msk [tilespmem:v11+s4+$0x0], $0xffff  }
0xc4: {  	v11 =	vadd.s32 v4, v14;
	v19 =	vld.idx.msk [tilespmem:v19+s4+$0x0], $0xffff  }
0xc5: {  	v33 =	vor.u32 v7, v26;
	v18 =	vld.idx.msk [tilespmem:v18+s4+$0x0], $0xffff  }
0xc6: {  	v26 =	vadd.s32 v5, v26;
	v30 =	vld.idx.msk [tilespmem:v30+s4+$0x0], $0xffff  }
0xc7: {  	[tilespmem:v31+s19+$0x0] =	vst.idx.add.f32.msk $0xffff, v12;
	v12 =	vor.u32 v7, v28  }
0xc8: {  	v31 =	vor.u32 v7, v15;
	v25 =	vld.idx.msk [tilespmem:v25+s4+$0x0], $0xffff  }
0xc9: {  	v28 =	vadd.s32 v5, v28;
	v34 =	vld.idx.msk [tilespmem:v11+s4+$0x0], $0xffff  }
0xca: {  	[tilespmem:v33+s19+$0x0] =	vst.idx.add.f32.msk $0xffff, v16;
	v16 =	vor.u32 v7, v14  }
0xcb: {  	v20 =	vor.u32 v20, v9;
	v11 =	vld.idx.msk [tilespmem:v26+s4+$0x0], $0xffff  }
0xcc: {  	[tilespmem:v12+s19+$0x0] =	vst.idx.add.f32.msk $0xffff, v13;
	v12 =	vor.u32 v7, v23  }
0xcd: {  	v13 =	vadd.s32 v5, v23;
	[tilespmem:v31+s19+$0x0] =	vst.idx.add.f32.msk $0xffff, v32  }
0xce: {  	v26 =	vor.u32 v7, v22;
	v23 =	vld.idx.msk [tilespmem:v28+s4+$0x0], $0xffff  }
0xcf: {  	v22 =	vadd.s32 v5, v22;
	[tilespmem:v16+s19+$0x0] =	vst.idx.add.f32.msk $0xffff, v34  }
0xd0: {  	[tilespmem:v20+s19+$0x0] =	vst.idx.add.f32.msk $0xffff, v25;
	v20 =	vor.u32 v27, v9  }
0xd1: {  	v14 =	vadd.s32 v5, v14;
	[tilespmem:v12+s19+$0x0] =	vst.idx.add.f32.msk $0xffff, v19  }
0xd2: {  	v25 =	vor.u32 v7, v21;
	v12 =	vld.idx.msk [tilespmem:v13+s4+$0x0], $0xffff  }
.Ltmp2:
0xd3: {  	v16 =	vadd.s32 v5, v15;
	v19 =	vadd.s32 v5, v21;
	[tilespmem:v26+s19+$0x0] =	vst.idx.add.f32.msk $0xffff, v18;
	(pc) =	sbr.rel @p1 .LBB2_8-.Ltmp2, $4  }
0xd4: {  	v13 =	vld.idx.msk [tilespmem:v22+s4+$0x0], $0xffff  }
0xd5: {  	v18 =	vor.u32 v17, v9;
	[tilespmem:v20+s19+$0x0] =	vst.idx.add.f32.msk $0xffff, v23  }
0xd6: {  	v17 =	vor.u32 v24, v9;
	v14 =	vld.idx.msk [tilespmem:v14+s4+$0x0], $0xffff  }
0xd7: {  	v15 =	vor.u32 v29, v9;
	[tilespmem:v25+s19+$0x0] =	vst.idx.add.f32.msk $0xffff, v30  }
0xd8: {  	_ =	sdelay $0x3  }
0xd9: {  	v4 =	vld.idx.msk [tilespmem:v19+s4+$0x0], $0xffff  }
0xda: {  	v5 =	vor.u32 v6, v9;
	v63 =	vld.idx.msk [tilespmem:v16+s4+$0x0], $0xffff;
	s5 =	sadd.s32 $0x1, s5  }
0xdb: {  	v7 =	vor.u32 v8, v9;
	[tilespmem:v18+s19+$0x0] =	vst.idx.add.f32.msk $0xffff, v12;
	p1 =	sne.s32 s5, $0x8  }
.Ltmp3:
0xdc: {  	[tilespmem:v10+s19+$0x0] =	vst.idx.add.f32.msk $0xffff, v11;
	(pc) =	sbr.rel @p1 .LBB2_7-.Ltmp3, $4  }
0xdd: {  	[tilespmem:v17+s19+$0x0] =	vst.idx.add.f32.msk $0xffff, v13  }
0xde: {  	[tilespmem:v15+s19+$0x0] =	vst.idx.add.f32.msk $0xffff, v14  }
0xdf: {  	[tilespmem:v5+s19+$0x0] =	vst.idx.add.f32.msk $0xffff, v4  }
0xe0: {  	[tilespmem:v7+s19+$0x0] =	vst.idx.add.f32.msk $0xffff, v63  }
0xe1: {  	s5 =	sadd.s32 s3, s16  }
0xe2: {  	[hbm4b:s5+s4] =	stream.linear.scatter [tilespmem:s19], [sflag:$0x6], $0x4000, $0x38;
	[tilespmem:$0x14C00] =	vst v63  }
0xe3: {  	s8 =	simm.s32 @!p0 $0x8;
	s5 =	sor.u32 $0x3, s0  }
0xe4: {  	_ =	swait.ge @!p0 [sflag:s8], $0x4000;
	s0 =	sshll.u32 s5, $0xB  }
0xe5: {  	[sflag:s8] =	ssyncset.done @!p0 $0x0;
	s0 =	sadd.s32 s6, s0  }
0xe6: {  	s9 =	simm.s32 $0x0;
	[sflag:s8] =	ssyncadd.s32 @!p0 $0xFFFFC000;
	s28 =	sadd.s32 s1, s0  }
0xe7: {  	[tilespmem:s22], [sflag:$0x4] =	stream.linear.gather [hbm4b:s28+s9], $0x4000, $0x38;
	[tilespmem:$0x14C00] =	vst v63  }
0xe8: {  	_ =	swait.ge [sflag:s23], $0x4000  }
0xe9: {  	s7 =	sshll.u32 s7, $0x7;
	[sflag:s23] =	ssyncset.done $0x0  }
0xea: {  	v3 =	vmov s7;
	s7 =	simm.s32 $0x0;
	[sflag:s23] =	ssyncadd.s32 $0xFFFFC000  }
.LBB2_11:
0xeb: {  	_ =	sdelay $0x2  }
0xec: {  	s8 =	sshll.u32 s7, $0x4  }
0xed: {  	v4 =	vld.idx.msk [tilespmem:v3+s8+$0xC00 ss:$0x1], $0xffff;
	_ =	sdelay $0x4  }
0xee: {  	vm0 =	vgt.s32 v4, $0x0  }
0xef: {  	v4 =	vnsel vm0, $0x0, v4  }
0xf0: {  	v4 =	vmin.u32 v4, $0xFF  }
0xf1: {  	v5 =	vld.idx.msk [tilespmem:v3+s8+$0x2C00 ss:$0x1], $0xffff;
	_ =	sdelay $0x3  }
0xf2: {  	v4 =	vld.idx.msk [tilespmem:v4+s15+$0x0], $0xffff  }
0xf3: {  	vm15 =	vgt.s32 v5, $0x0  }
0xf4: {  	s26 =	simm.s32 $0x1;
	v5 =	vnsel vm15, $0x0, v5  }
0xf5: {  	v10 =	vadd.s32 s26, v0;
	v5 =	vmin.u32 v5, $0xFF  }
0xf6: {  	v11 =	vadd.s32 s9, v0;
	s28 =	simm.s32 $0x2;
	v9 =	vand.u32 $0x3F, v10;
	v5 =	vor.u32 $0x100, v5  }
0xf7: {  	s10 =	simm.s32 $0x4;
	v12 =	vand.u32 $0x3F, v11;
	v13 =	vadd.s32 s28, v0;
	v7 =	vadd.s32 v4, v9  }
0xf8: {  	s13 =	simm.s32 $0x5;
	v8 =	vadd.s32 s10, v0;
	v15 =	vand.u32 $0x3F, v13;
	v14 =	vadd.s32 v4, v12  }
0xf9: {  	s10 =	simm.s32 $0x6;
	v18 =	vadd.s32 s13, v0;
	v17 =	vand.u32 $0x3F, v8;
	v16 =	vadd.s32 v4, v15  }
0xfa: {  	s28 =	simm.s32 $0x3;
	v20 =	vadd.s32 s10, v0;
	v21 =	vand.u32 $0x3F, v18;
	v19 =	vadd.s32 v4, v17  }
0xfb: {  	s16 =	simm.s32 $0x7;
	v28 =	vadd.s32 s28, v0;
	v23 =	vand.u32 $0x3F, v20;
	v5 =	vld.idx.msk [tilespmem:v5+s15+$0x0], $0xffff;
	v22 =	vadd.s32 v4, v21  }
0xfc: {  	v6 =	vadd.s32 s16, v0;
	v30 =	vand.u32 $0x3F, v28;
	v25 =	vadd.s32 v4, v23;
	v24 =	vld.idx.msk [tilespmem:v7+s4+$0x0], $0xffff  }
0xfd: {  	s26 =	sshll.u32 s7, $0xB;
	v26 =	vand.u32 $0x3F, v6;
	v31 =	vadd.s32 v4, v30;
	v14 =	vld.idx.msk [tilespmem:v14+s4+$0x0], $0xffff  }
0xfe: {  	v27 =	vadd.s32 v4, v26;
	v7 =	vor.u32 s26, v1;
	v16 =	vld.idx.msk [tilespmem:v16+s4+$0x0], $0xffff  }
0xff: {  	v19 =	vld.idx.msk [tilespmem:v19+s4+$0x0], $0xffff;
	v29 =	vor.u32 v7, v12  }
0x100: {  	v22 =	vld.idx.msk [tilespmem:v22+s4+$0x0], $0xffff;
	v32 =	vor.u32 v7, v9  }
0x101: {  	v25 =	vld.idx.msk [tilespmem:v25+s4+$0x0], $0xffff;
	v57 =	vor.u32 v7, v17  }
0x102: {  	v31 =	vld.idx.msk [tilespmem:v31+s4+$0x0], $0xffff;
	v58 =	vor.u32 v7, v30  }
0x103: {  	v27 =	vld.idx.msk [tilespmem:v27+s4+$0x0], $0xffff;
	v63 =	vor.u32 v7, v26  }
0x104: {  	v12 =	vadd.s32 v5, v12;
	[tilespmem:v29+s21+$0x0] =	vst.idx.add.f32.msk $0xffff, v14  }
0x105: {  	v33 =	vadd.s32 v5, v9;
	[tilespmem:v32+s21+$0x0] =	vst.idx.add.f32.msk $0xffff, v24  }
0x106: {  	v14 =	vor.u32 v7, v15;
	[tilespmem:v57+s21+$0x0] =	vst.idx.add.f32.msk $0xffff, v19  }
0x107: {  	v19 =	vor.u32 v7, v23;
	[tilespmem:v58+s21+$0x0] =	vst.idx.add.f32.msk $0xffff, v31  }
0x108: {  	v9 =	vor.u32 s26, v2;
	v15 =	vadd.s32 v5, v15;
	[tilespmem:v63+s21+$0x0] =	vst.idx.add.f32.msk $0xffff, v27  }
0x109: {  	v59 =	vor.u32 v11, v9;
	v12 =	vld.idx.msk [tilespmem:v12+s4+$0x0], $0xffff  }
0x10a: {  	v60 =	vadd.s32 v5, v23;
	v11 =	vld.idx.msk [tilespmem:v33+s4+$0x0], $0xffff  }
0x10b: {  	[tilespmem:v14+s21+$0x0] =	vst.idx.add.f32.msk $0xffff, v16;
	v14 =	vor.u32 v7, v21  }
0x10c: {  	v16 =	vadd.s32 v5, v21;
	[tilespmem:v19+s21+$0x0] =	vst.idx.add.f32.msk $0xffff, v25  }
0x10d: {  	v62 =	vadd.s32 v5, v30;
	v15 =	vld.idx.msk [tilespmem:v15+s4+$0x0], $0xffff  }
0x10e: {  	v61 =	vor.u32 v13, v9;
	[tilespmem:v59+s21+$0x0] =	vst.idx.add.f32.msk $0xffff, v12  }
0x10f: {  	v13 =	vld.idx.msk [tilespmem:v60+s4+$0x0], $0xffff  }
0x110: {  	v19 =	vadd.s32 v5, v26;
	[tilespmem:v14+s21+$0x0] =	vst.idx.add.f32.msk $0xffff, v22  }
0x111: {  	v12 =	vld.idx.msk [tilespmem:v16+s4+$0x0], $0xffff;
	v16 =	vadd.s32 v5, v17  }
0x112: {  	v10 =	vor.u32 v10, v9;
	v18 =	vor.u32 v18, v9;
	v14 =	vld.idx.msk [tilespmem:v62+s4+$0x0], $0xffff  }
0x113: {  	s10 =	simm.s32 $0x8;
	[tilespmem:v61+s21+$0x0] =	vst.idx.add.f32.msk $0xffff, v15;
	v17 =	vor.u32 v20, v9;
	v15 =	vor.u32 v28, v9  }
.LBB2_12:
0x114: {  	s8 =	sadd.s32 $0x1, s10  }
0x115: {  	v20 =	vadd.s32 s10, v0;
	s13 =	sadd.s32 $0x6, s10;
	s16 =	sadd.s32 $0x7, s10;
	v21 =	vor.u32 v8, v9;
	v19 =	vld.idx.msk [tilespmem:v19+s4+$0x0], $0xffff;
	v22 =	vor.u32 v6, v9;
	s26 =	smov.u32 s10  }
0x116: {  	p0 =	slt.u32 s10, $0x38;
	s10 =	sadd.s32 $0x8, s10;
	v23 =	vadd.s32 s8, v0;
	s8 =	sadd.s32 $0x2, s26;
	v24 =	vadd.s32 s13, v0;
	v6 =	vadd.s32 s16, v0;
	v16 =	vld.idx.msk [tilespmem:v16+s4+$0x0], $0xffff  }
0x117: {  	v25 =	vand.u32 $0x3F, v20;
	v26 =	vand.u32 $0x3F, v23;
	v27 =	vadd.s32 s8, v0;
	s8 =	sadd.s32 $0x3, s26;
	[tilespmem:v18+s21+$0x0] =	vst.idx.add.f32.msk $0xffff, v12  }
0x118: {  	s13 =	sadd.s32 $0x4, s26;
	v12 =	vadd.s32 v4, v25;
	v18 =	vadd.s32 v4, v26;
	v28 =	vand.u32 $0x3F, v27;
	[tilespmem:v17+s21+$0x0] =	vst.idx.add.f32.msk $0xffff, v13  }
0x119: {  	v8 =	vadd.s32 s13, v0;
	v29 =	vadd.s32 s8, v0;
	s8 =	sadd.s32 $0x5, s26;
	v13 =	vadd.s32 v4, v28;
	[tilespmem:v15+s21+$0x0] =	vst.idx.add.f32.msk $0xffff, v14  }
0x11a: {  	v14 =	vand.u32 $0x3F, v29;
	v15 =	vand.u32 $0x3F, v8;
	v17 =	vadd.s32 s8, v0;
	[tilespmem:v10+s21+$0x0] =	vst.idx.add.f32.msk $0xffff, v11  }
0x11b: {  	v10 =	vor.u32 v23, v9;
	v11 =	vadd.s32 v4, v15;
	v23 =	vand.u32 $0x3F, v17;
	[tilespmem:v22+s21+$0x0] =	vst.idx.add.f32.msk $0xffff, v19  }
0x11c: {  	v19 =	vadd.s32 v4, v23;
	v22 =	vand.u32 $0x3F, v24;
	[tilespmem:v21+s21+$0x0] =	vst.idx.add.f32.msk $0xffff, v16  }
0x11d: {  	v21 =	vand.u32 $0x3F, v6;
	v16 =	vld.idx.msk [tilespmem:v18+s4+$0x0], $0xffff;
	v18 =	vadd.s32 v4, v22  }
0x11e: {  	v30 =	vadd.s32 v4, v21;
	v12 =	vld.idx.msk [tilespmem:v12+s4+$0x0], $0xffff  }
0x11f: {  	v31 =	vor.u32 v7, v25;
	v13 =	vld.idx.msk [tilespmem:v13+s4+$0x0], $0xffff  }
0x120: {  	v25 =	vadd.s32 v5, v25;
	v32 =	vld.idx.msk [tilespmem:v11+s4+$0x0], $0xffff  }
0x121: {  	v11 =	vadd.s32 v4, v14;
	v19 =	vld.idx.msk [tilespmem:v19+s4+$0x0], $0xffff  }
0x122: {  	v33 =	vor.u32 v7, v26;
	v18 =	vld.idx.msk [tilespmem:v18+s4+$0x0], $0xffff  }
0x123: {  	v26 =	vadd.s32 v5, v26;
	v30 =	vld.idx.msk [tilespmem:v30+s4+$0x0], $0xffff  }
0x124: {  	[tilespmem:v31+s21+$0x0] =	vst.idx.add.f32.msk $0xffff, v12;
	v12 =	vor.u32 v7, v28  }
0x125: {  	v31 =	vor.u32 v7, v15;
	v25 =	vld.idx.msk [tilespmem:v25+s4+$0x0], $0xffff  }
0x126: {  	v28 =	vadd.s32 v5, v28;
	v34 =	vld.idx.msk [tilespmem:v11+s4+$0x0], $0xffff  }
0x127: {  	[tilespmem:v33+s21+$0x0] =	vst.idx.add.f32.msk $0xffff, v16;
	v16 =	vor.u32 v7, v14  }
0x128: {  	v20 =	vor.u32 v20, v9;
	v11 =	vld.idx.msk [tilespmem:v26+s4+$0x0], $0xffff  }
0x129: {  	[tilespmem:v12+s21+$0x0] =	vst.idx.add.f32.msk $0xffff, v13;
	v12 =	vor.u32 v7, v23  }
0x12a: {  	v13 =	vadd.s32 v5, v23;
	[tilespmem:v31+s21+$0x0] =	vst.idx.add.f32.msk $0xffff, v32  }
0x12b: {  	v26 =	vor.u32 v7, v22;
	v23 =	vld.idx.msk [tilespmem:v28+s4+$0x0], $0xffff  }
0x12c: {  	v22 =	vadd.s32 v5, v22;
	[tilespmem:v16+s21+$0x0] =	vst.idx.add.f32.msk $0xffff, v34  }
0x12d: {  	[tilespmem:v20+s21+$0x0] =	vst.idx.add.f32.msk $0xffff, v25;
	v20 =	vor.u32 v27, v9  }
0x12e: {  	v14 =	vadd.s32 v5, v14;
	[tilespmem:v12+s21+$0x0] =	vst.idx.add.f32.msk $0xffff, v19  }
0x12f: {  	v25 =	vor.u32 v7, v21;
	v12 =	vld.idx.msk [tilespmem:v13+s4+$0x0], $0xffff  }
.Ltmp4:
0x130: {  	v16 =	vadd.s32 v5, v15;
	v19 =	vadd.s32 v5, v21;
	[tilespmem:v26+s21+$0x0] =	vst.idx.add.f32.msk $0xffff, v18;
	(pc) =	sbr.rel @p0 .LBB2_12-.Ltmp4, $4  }
0x131: {  	v13 =	vld.idx.msk [tilespmem:v22+s4+$0x0], $0xffff  }
0x132: {  	v18 =	vor.u32 v17, v9;
	[tilespmem:v20+s21+$0x0] =	vst.idx.add.f32.msk $0xffff, v23  }
0x133: {  	v17 =	vor.u32 v24, v9;
	v14 =	vld.idx.msk [tilespmem:v14+s4+$0x0], $0xffff  }
0x134: {  	v15 =	vor.u32 v29, v9;
	[tilespmem:v25+s21+$0x0] =	vst.idx.add.f32.msk $0xffff, v30  }
0x135: {  	_ =	sdelay $0x3  }
0x136: {  	v4 =	vld.idx.msk [tilespmem:v19+s4+$0x0], $0xffff  }
0x137: {  	v5 =	vor.u32 v6, v9;
	v63 =	vld.idx.msk [tilespmem:v16+s4+$0x0], $0xffff;
	s7 =	sadd.s32 $0x1, s7  }
0x138: {  	v7 =	vor.u32 v8, v9;
	[tilespmem:v18+s21+$0x0] =	vst.idx.add.f32.msk $0xffff, v12;
	p0 =	sne.s32 s7, $0x8  }
.Ltmp5:
0x139: {  	[tilespmem:v10+s21+$0x0] =	vst.idx.add.f32.msk $0xffff, v11;
	(pc) =	sbr.rel @p0 .LBB2_11-.Ltmp5, $4  }
0x13a: {  	[tilespmem:v17+s21+$0x0] =	vst.idx.add.f32.msk $0xffff, v13  }
0x13b: {  	[tilespmem:v15+s21+$0x0] =	vst.idx.add.f32.msk $0xffff, v14  }
0x13c: {  	[tilespmem:v5+s21+$0x0] =	vst.idx.add.f32.msk $0xffff, v4  }
0x13d: {  	[tilespmem:v7+s21+$0x0] =	vst.idx.add.f32.msk $0xffff, v63  }
0x13e: {  	s7 =	sadd.s32 s3, s17  }
0x13f: {  	[hbm4b:s7+s4] =	stream.linear.scatter [tilespmem:s21], [sflag:$0x7], $0x4000, $0x38;
	[tilespmem:$0x14C00] =	vst v63  }
0x140: {  	p0 =	seq.s32 s31, $0xF;
	_ =	swait.ge [sflag:s24], $0x4000  }
0x141: {  	s2 =	sadd.s32 @!p0 s2, s12;
	[sflag:s24] =	ssyncset.done $0x0  }
0x142: {  	s7 =	simm.s32 @!p0 $0x0;
	s8 =	simm.s32 @!p0 $0x4C00;
	[sflag:s24] =	ssyncadd.s32 $0xFFFFC000  }
0x143: {  	[tilespmem:s8], [sflag:$0x1] =	stream.linear.gather @!p0 [hbm4b:s2+s7], $0x4000, $0x38;
	[tilespmem:$0x14C00] =	vst v63  }
0x144: {  	_ =	swait.ge [sflag:s25], $0x4000  }
0x145: {  	s5 =	sshll.u32 s5, $0x7;
	[sflag:s25] =	ssyncset.done $0x0  }
0x146: {  	v3 =	vmov s5;
	s5 =	simm.s32 $0x0;
	s2 =	simm.s32 $0x0;
	[sflag:s25] =	ssyncadd.s32 $0xFFFFC000  }
.LBB2_15:
0x147: {  	_ =	sdelay $0x2  }
0x148: {  	s7 =	sshll.u32 s5, $0x4  }
0x149: {  	v4 =	vld.idx.msk [tilespmem:v3+s7+$0xC00 ss:$0x1], $0xffff;
	_ =	sdelay $0x4  }
0x14a: {  	vm0 =	vgt.s32 v4, $0x0  }
0x14b: {  	v4 =	vnsel vm0, $0x0, v4  }
0x14c: {  	v4 =	vmin.u32 v4, $0xFF  }
0x14d: {  	v5 =	vld.idx.msk [tilespmem:v3+s7+$0x2C00 ss:$0x1], $0xffff;
	_ =	sdelay $0x3  }
0x14e: {  	v4 =	vld.idx.msk [tilespmem:v4+s15+$0x0], $0xffff  }
0x14f: {  	vm15 =	vgt.s32 v5, $0x0  }
0x150: {  	s9 =	simm.s32 $0x1;
	v5 =	vnsel vm15, $0x0, v5  }
0x151: {  	v10 =	vadd.s32 s9, v0;
	v5 =	vmin.u32 v5, $0xFF  }
0x152: {  	v11 =	vadd.s32 s2, v0;
	s10 =	simm.s32 $0x2;
	v9 =	vand.u32 $0x3F, v10;
	v5 =	vor.u32 $0x100, v5  }
0x153: {  	s13 =	simm.s32 $0x4;
	v12 =	vand.u32 $0x3F, v11;
	v13 =	vadd.s32 s10, v0;
	v7 =	vadd.s32 v4, v9  }
0x154: {  	s16 =	simm.s32 $0x5;
	v8 =	vadd.s32 s13, v0;
	v15 =	vand.u32 $0x3F, v13;
	v14 =	vadd.s32 v4, v12  }
0x155: {  	s8 =	simm.s32 $0x6;
	v18 =	vadd.s32 s16, v0;
	v17 =	vand.u32 $0x3F, v8;
	v16 =	vadd.s32 v4, v15  }
0x156: {  	s28 =	simm.s32 $0x3;
	v20 =	vadd.s32 s8, v0;
	v21 =	vand.u32 $0x3F, v18;
	v19 =	vadd.s32 v4, v17  }
0x157: {  	s17 =	simm.s32 $0x7;
	v28 =	vadd.s32 s28, v0;
	v23 =	vand.u32 $0x3F, v20;
	v5 =	vld.idx.msk [tilespmem:v5+s15+$0x0], $0xffff;
	v22 =	vadd.s32 v4, v21  }
0x158: {  	v6 =	vadd.s32 s17, v0;
	v30 =	vand.u32 $0x3F, v28;
	v25 =	vadd.s32 v4, v23;
	v24 =	vld.idx.msk [tilespmem:v7+s4+$0x0], $0xffff  }
0x159: {  	s26 =	sshll.u32 s5, $0xB;
	v26 =	vand.u32 $0x3F, v6;
	v31 =	vadd.s32 v4, v30;
	v14 =	vld.idx.msk [tilespmem:v14+s4+$0x0], $0xffff  }
0x15a: {  	v27 =	vadd.s32 v4, v26;
	v7 =	vor.u32 s26, v1;
	v16 =	vld.idx.msk [tilespmem:v16+s4+$0x0], $0xffff  }
0x15b: {  	v19 =	vld.idx.msk [tilespmem:v19+s4+$0x0], $0xffff;
	v29 =	vor.u32 v7, v12  }
0x15c: {  	v22 =	vld.idx.msk [tilespmem:v22+s4+$0x0], $0xffff;
	v32 =	vor.u32 v7, v9  }
0x15d: {  	v25 =	vld.idx.msk [tilespmem:v25+s4+$0x0], $0xffff;
	v57 =	vor.u32 v7, v17  }
0x15e: {  	v31 =	vld.idx.msk [tilespmem:v31+s4+$0x0], $0xffff;
	v58 =	vor.u32 v7, v30  }
0x15f: {  	v27 =	vld.idx.msk [tilespmem:v27+s4+$0x0], $0xffff;
	v63 =	vor.u32 v7, v26  }
0x160: {  	v12 =	vadd.s32 v5, v12;
	[tilespmem:v29+s22+$0x0] =	vst.idx.add.f32.msk $0xffff, v14  }
0x161: {  	v33 =	vadd.s32 v5, v9;
	[tilespmem:v32+s22+$0x0] =	vst.idx.add.f32.msk $0xffff, v24  }
0x162: {  	v14 =	vor.u32 v7, v15;
	[tilespmem:v57+s22+$0x0] =	vst.idx.add.f32.msk $0xffff, v19  }
0x163: {  	v19 =	vor.u32 v7, v23;
	[tilespmem:v58+s22+$0x0] =	vst.idx.add.f32.msk $0xffff, v31  }
0x164: {  	v9 =	vor.u32 s26, v2;
	v15 =	vadd.s32 v5, v15;
	[tilespmem:v63+s22+$0x0] =	vst.idx.add.f32.msk $0xffff, v27  }
0x165: {  	v59 =	vor.u32 v11, v9;
	v12 =	vld.idx.msk [tilespmem:v12+s4+$0x0], $0xffff  }
0x166: {  	v60 =	vadd.s32 v5, v23;
	v11 =	vld.idx.msk [tilespmem:v33+s4+$0x0], $0xffff  }
0x167: {  	[tilespmem:v14+s22+$0x0] =	vst.idx.add.f32.msk $0xffff, v16;
	v14 =	vor.u32 v7, v21  }
0x168: {  	v16 =	vadd.s32 v5, v21;
	[tilespmem:v19+s22+$0x0] =	vst.idx.add.f32.msk $0xffff, v25  }
0x169: {  	v62 =	vadd.s32 v5, v30;
	v15 =	vld.idx.msk [tilespmem:v15+s4+$0x0], $0xffff  }
0x16a: {  	v61 =	vor.u32 v13, v9;
	[tilespmem:v59+s22+$0x0] =	vst.idx.add.f32.msk $0xffff, v12  }
0x16b: {  	v13 =	vld.idx.msk [tilespmem:v60+s4+$0x0], $0xffff  }
0x16c: {  	v19 =	vadd.s32 v5, v26;
	[tilespmem:v14+s22+$0x0] =	vst.idx.add.f32.msk $0xffff, v22  }
0x16d: {  	v12 =	vld.idx.msk [tilespmem:v16+s4+$0x0], $0xffff;
	v16 =	vadd.s32 v5, v17  }
0x16e: {  	v10 =	vor.u32 v10, v9;
	v18 =	vor.u32 v18, v9;
	v14 =	vld.idx.msk [tilespmem:v62+s4+$0x0], $0xffff  }
0x16f: {  	s7 =	simm.s32 $0x8;
	[tilespmem:v61+s22+$0x0] =	vst.idx.add.f32.msk $0xffff, v15;
	v17 =	vor.u32 v20, v9;
	v15 =	vor.u32 v28, v9  }
.LBB2_16:
0x170: {  	s8 =	sadd.s32 $0x1, s7  }
0x171: {  	v20 =	vadd.s32 s7, v0;
	s9 =	sadd.s32 $0x6, s7;
	s10 =	sadd.s32 $0x7, s7;
	v21 =	vor.u32 v8, v9;
	v19 =	vld.idx.msk [tilespmem:v19+s4+$0x0], $0xffff;
	v22 =	vor.u32 v6, v9;
	s13 =	smov.u32 s7  }
0x172: {  	p0 =	slt.u32 s7, $0x38;
	s7 =	sadd.s32 $0x8, s7;
	v23 =	vadd.s32 s8, v0;
	s8 =	sadd.s32 $0x2, s13;
	v24 =	vadd.s32 s9, v0;
	v6 =	vadd.s32 s10, v0;
	v16 =	vld.idx.msk [tilespmem:v16+s4+$0x0], $0xffff  }
0x173: {  	v25 =	vand.u32 $0x3F, v20;
	v26 =	vand.u32 $0x3F, v23;
	v27 =	vadd.s32 s8, v0;
	s8 =	sadd.s32 $0x3, s13;
	[tilespmem:v18+s22+$0x0] =	vst.idx.add.f32.msk $0xffff, v12  }
0x174: {  	s9 =	sadd.s32 $0x4, s13;
	v12 =	vadd.s32 v4, v25;
	v18 =	vadd.s32 v4, v26;
	v28 =	vand.u32 $0x3F, v27;
	[tilespmem:v17+s22+$0x0] =	vst.idx.add.f32.msk $0xffff, v13  }
0x175: {  	v8 =	vadd.s32 s9, v0;
	v29 =	vadd.s32 s8, v0;
	s8 =	sadd.s32 $0x5, s13;
	v13 =	vadd.s32 v4, v28;
	[tilespmem:v15+s22+$0x0] =	vst.idx.add.f32.msk $0xffff, v14  }
0x176: {  	v14 =	vand.u32 $0x3F, v29;
	v15 =	vand.u32 $0x3F, v8;
	v17 =	vadd.s32 s8, v0;
	[tilespmem:v10+s22+$0x0] =	vst.idx.add.f32.msk $0xffff, v11  }
0x177: {  	v10 =	vor.u32 v23, v9;
	v11 =	vadd.s32 v4, v15;
	v23 =	vand.u32 $0x3F, v17;
	[tilespmem:v22+s22+$0x0] =	vst.idx.add.f32.msk $0xffff, v19  }
0x178: {  	v19 =	vadd.s32 v4, v23;
	v22 =	vand.u32 $0x3F, v24;
	[tilespmem:v21+s22+$0x0] =	vst.idx.add.f32.msk $0xffff, v16  }
0x179: {  	v21 =	vand.u32 $0x3F, v6;
	v16 =	vld.idx.msk [tilespmem:v18+s4+$0x0], $0xffff;
	v18 =	vadd.s32 v4, v22  }
0x17a: {  	v30 =	vadd.s32 v4, v21;
	v12 =	vld.idx.msk [tilespmem:v12+s4+$0x0], $0xffff  }
0x17b: {  	v31 =	vor.u32 v7, v25;
	v13 =	vld.idx.msk [tilespmem:v13+s4+$0x0], $0xffff  }
0x17c: {  	v25 =	vadd.s32 v5, v25;
	v32 =	vld.idx.msk [tilespmem:v11+s4+$0x0], $0xffff  }
0x17d: {  	v11 =	vadd.s32 v4, v14;
	v19 =	vld.idx.msk [tilespmem:v19+s4+$0x0], $0xffff  }
0x17e: {  	v33 =	vor.u32 v7, v26;
	v18 =	vld.idx.msk [tilespmem:v18+s4+$0x0], $0xffff  }
0x17f: {  	v26 =	vadd.s32 v5, v26;
	v30 =	vld.idx.msk [tilespmem:v30+s4+$0x0], $0xffff  }
0x180: {  	[tilespmem:v31+s22+$0x0] =	vst.idx.add.f32.msk $0xffff, v12;
	v12 =	vor.u32 v7, v28  }
0x181: {  	v31 =	vor.u32 v7, v15;
	v25 =	vld.idx.msk [tilespmem:v25+s4+$0x0], $0xffff  }
0x182: {  	v28 =	vadd.s32 v5, v28;
	v34 =	vld.idx.msk [tilespmem:v11+s4+$0x0], $0xffff  }
0x183: {  	[tilespmem:v33+s22+$0x0] =	vst.idx.add.f32.msk $0xffff, v16;
	v16 =	vor.u32 v7, v14  }
0x184: {  	v20 =	vor.u32 v20, v9;
	v11 =	vld.idx.msk [tilespmem:v26+s4+$0x0], $0xffff  }
0x185: {  	[tilespmem:v12+s22+$0x0] =	vst.idx.add.f32.msk $0xffff, v13;
	v12 =	vor.u32 v7, v23  }
0x186: {  	v13 =	vadd.s32 v5, v23;
	[tilespmem:v31+s22+$0x0] =	vst.idx.add.f32.msk $0xffff, v32  }
0x187: {  	v26 =	vor.u32 v7, v22;
	v23 =	vld.idx.msk [tilespmem:v28+s4+$0x0], $0xffff  }
0x188: {  	v22 =	vadd.s32 v5, v22;
	[tilespmem:v16+s22+$0x0] =	vst.idx.add.f32.msk $0xffff, v34  }
0x189: {  	[tilespmem:v20+s22+$0x0] =	vst.idx.add.f32.msk $0xffff, v25;
	v20 =	vor.u32 v27, v9  }
0x18a: {  	v14 =	vadd.s32 v5, v14;
	[tilespmem:v12+s22+$0x0] =	vst.idx.add.f32.msk $0xffff, v19  }
0x18b: {  	v25 =	vor.u32 v7, v21;
	v12 =	vld.idx.msk [tilespmem:v13+s4+$0x0], $0xffff  }
.Ltmp6:
0x18c: {  	v16 =	vadd.s32 v5, v15;
	v19 =	vadd.s32 v5, v21;
	[tilespmem:v26+s22+$0x0] =	vst.idx.add.f32.msk $0xffff, v18;
	(pc) =	sbr.rel @p0 .LBB2_16-.Ltmp6, $4  }
0x18d: {  	v13 =	vld.idx.msk [tilespmem:v22+s4+$0x0], $0xffff  }
0x18e: {  	v18 =	vor.u32 v17, v9;
	[tilespmem:v20+s22+$0x0] =	vst.idx.add.f32.msk $0xffff, v23  }
0x18f: {  	v17 =	vor.u32 v24, v9;
	v14 =	vld.idx.msk [tilespmem:v14+s4+$0x0], $0xffff  }
0x190: {  	v15 =	vor.u32 v29, v9;
	[tilespmem:v25+s22+$0x0] =	vst.idx.add.f32.msk $0xffff, v30  }
0x191: {  	_ =	sdelay $0x3  }
0x192: {  	v4 =	vld.idx.msk [tilespmem:v19+s4+$0x0], $0xffff  }
0x193: {  	v5 =	vor.u32 v6, v9;
	v63 =	vld.idx.msk [tilespmem:v16+s4+$0x0], $0xffff;
	s5 =	sadd.s32 $0x1, s5  }
0x194: {  	v7 =	vor.u32 v8, v9;
	[tilespmem:v18+s22+$0x0] =	vst.idx.add.f32.msk $0xffff, v12;
	p0 =	sne.s32 s5, $0x8  }
.Ltmp7:
0x195: {  	[tilespmem:v10+s22+$0x0] =	vst.idx.add.f32.msk $0xffff, v11;
	(pc) =	sbr.rel @p0 .LBB2_15-.Ltmp7, $4  }
0x196: {  	[tilespmem:v17+s22+$0x0] =	vst.idx.add.f32.msk $0xffff, v13  }
0x197: {  	[tilespmem:v15+s22+$0x0] =	vst.idx.add.f32.msk $0xffff, v14  }
0x198: {  	[tilespmem:v5+s22+$0x0] =	vst.idx.add.f32.msk $0xffff, v4  }
0x199: {  	[tilespmem:v7+s22+$0x0] =	vst.idx.add.f32.msk $0xffff, v63  }
0x19a: {  	s31 =	sadd.s32 $0x1, s31  }
0x19b: {  	p0 =	sne.s32 s31, $0x10  }
.Ltmp8:
0x19c: {  	_ = 	snop;
	(pc) =	sbr.rel @p0 .LBB2_2-.Ltmp8, $3  }
0x19d: {  	_ =	sdelay $0x1  }
0x19e: {  	s0 =	sadd.s32 s3, s0  }
0x19f: {  	[hbm4b:s0+s4] =	stream.linear.scatter [tilespmem:s22], [sflag:$0x8], $0x4000, $0x38;
	[tilespmem:$0x14C00] =	vst v63  }
0x1a0: {  	s0 =	simm.s32 $0x6  }
0x1a1: {  	_ =	swait.ge [sflag:s0], $0x4000  }
0x1a2: {  	[sflag:s0] =	ssyncset.done $0x0  }
0x1a3: {  	s28 =	simm.s32 $0x7;
	[sflag:s0] =	ssyncadd.s32 $0xFFFFC000  }
0x1a4: {  	_ =	swait.ge [sflag:s28], $0x4000  }
0x1a5: {  	[sflag:s28] =	ssyncset.done $0x0  }
0x1a6: {  	[sflag:s28] =	ssyncadd.s32 $0xFFFFC000  }
0x1a7: {  	_ =	swait.ge [sflag:s29], $0x4000  }
0x1a8: {  	s30 =	sadd.s32 $0x1, s30;
	s31 =	rddreg [dreg:$0x9]  }
0x1a9: {  	p0 =	sne.s32 s30, s31  }
.Ltmp9:
0x1aa: {  	_ = 	snop;
	(pc) =	sbr.rel @p0 .LBB2_1-.Ltmp9, $3  }
0x1ab: {  	_ =	sdelay $0x1  }
0x1ac: {  	[sflag:s29] =	ssyncset.done $0x0  }
0x1ad: {  	[sflag:s29] =	ssyncadd.s32 $0xFFFFC000  }
0x1ae: {  	_ =	sfence.sel $0x180000  }
0x1af: {  	[bflag:$0x0] =	sbarrier.arrive $0xFFFF  }
0x1b0: {  	_ =	strace $0x90000047  }
0x1b1: {  	s0 =	stileid.u32;
	[bflag:$0x2] =	sbarrier.arrive $0xFFFF  }
0x1b2: {  	p0 =	sne.s32 s0, $0x0;
	s0 =	rddreg [dreg:$0x3]  }
0x1b3: {  	s0 =	sadd.s32 @!p0 $0x100000, s0  }
0x1b4: {  	[sflag:s0] =	ssyncadd.tile.s32 @!p0 $0x1;
	_ =	shalt  }
.Lfunc_end2:
_tile_overlayer_lowered:
.L_overlay_start_2:
0x1b5: {  	(tag) =	ssettag $0x2  }
0x1b6: {  	s0 =	rddreg [dreg:$0x0];
	s2 =	stileid.u32  }
0x1b7: {  	s1 =	rddreg [dreg:$0x1];
	p0 =	sne.s32 s2, $0x0  }
0x1b8: {  	s3 =	rddreg [dreg:$0x2];
	[bflag:$0x3] =	sbarrier.arrive $0xFFFF;
	s2 =	simm.s32 @!p0 $0x1C09  }
0x1b9: {  	[timem:s3], [sflag:s2] =	dma.local @!p0 [hbm:s0], s1  }
0x1ba: {  	s0 =	simm.s32 @!p0 $0x9  }
0x1bb: {  	_ =	swait.ge @!p0 [sflag:s0], s1  }
0x1bc: {  	s1 =	ssub.s32 @!p0 $0x0, s1;
	[sflag:s0] =	ssyncset.done @!p0 $0x0  }
0x1bd: {  	[sflag:s0] =	ssyncadd.s32 @!p0 s1  }
0x1be: {  	[bflag:$0x3] =	sbarrier.arrive $0xFFFF  }
0x1bf: {  	_ =	shalt  }

</sc_bundles>
